<compile_context>
chip_gen: v7x
topology: tpu7x:2x2x1
jax: 0.10.2.dev20260603
libtpu: 0.0.44.dev20260713+nightly
codegen_flags: <defaults>
</compile_context>

<pallas_src>
import functools

import jax
import jax.numpy as jnp
from jax import lax
from jax.experimental import pallas as pl
from jax.experimental.pallas import tpu as pltpu
from jax.experimental.pallas import tpu_sc as plsc

_NC, _NS, _L = 2, 16, 16
_NW = _NC * _NS
_K = 3
_INV_TAU = 100.0
_NEG = float("-inf")
_IMAX = 2147483647


def _lane():
    return lax.iota(jnp.int32, _L)


def _splat_f(x):
    return jnp.full((_L,), x, dtype=jnp.float32)


def _splat_i(x):
    return jnp.full((_L,), x, dtype=jnp.int32)


def _insert_top3(carry, v, iv, tie_break):
    m1, m2, m3, i1, i2, i3 = carry
    if tie_break:
        b1 = (v > m1) | ((v == m1) & (iv < i1))
        b2 = (v > m2) | ((v == m2) & (iv < i2))
        b3 = (v > m3) | ((v == m3) & (iv < i3))
    else:
        b1 = v > m1
        b2 = v > m2
        b3 = v > m3
    nm1 = jnp.where(b1, v, m1)
    ni1 = jnp.where(b1, iv, i1)
    nm2 = jnp.where(b1, m1, jnp.where(b2, v, m2))
    ni2 = jnp.where(b1, i1, jnp.where(b2, iv, i2))
    nm3 = jnp.where(b2, m2, jnp.where(b3, v, m3))
    ni3 = jnp.where(b2, i2, jnp.where(b3, iv, i3))
    return nm1, nm2, nm3, ni1, ni2, ni3


def _shuf(x, perm):
    dn = lax.GatherDimensionNumbers(
        offset_dims=(), collapsed_slice_dims=(0,), start_index_map=(0,))
    return lax.gather(x, perm[:, None], dn, slice_sizes=(1,),
                      mode=lax.GatherScatterMode.PROMISE_IN_BOUNDS)


def _best_splat(v, i):
    lane = _lane()
    for off in (8, 4, 2, 1):
        p = lane ^ off
        ov = _shuf(v, p)
        oi = _shuf(i, p)
        take = (ov > v) | ((ov == v) & (oi < i))
        v = jnp.where(take, ov, v)
        i = jnp.where(take, oi, i)
    return v, i


def _sum_splat(x):
    lane = _lane()
    for off in (8, 4, 2, 1):
        x = x + _shuf(x, lane ^ off)
    return x


def _neg_carry():
    return (_splat_f(_NEG), _splat_f(_NEG), _splat_f(_NEG),
            _splat_i(_IMAX), _splat_i(_IMAX), _splat_i(_IMAX))


def _extract_top3(m1, m2, m3, i1, i2, i3):
    lane = _lane()
    out_v = _splat_f(_NEG)
    out_i = _splat_i(_IMAX)
    for t in range(_K):
        wv, wi = _best_splat(m1, i1)
        lm = (m1 == wv) & (i1 == wi)
        sel = lane == t
        out_v = jnp.where(sel, wv, out_v)
        out_i = jnp.where(sel, wi, out_i)
        m1 = jnp.where(lm, m2, m1)
        i1 = jnp.where(lm, i2, i1)
        m2 = jnp.where(lm, m3, m2)
        i2 = jnp.where(lm, i3, i2)
        m3 = jnp.where(lm, _splat_f(_NEG), m3)
        i3 = jnp.where(lm, _splat_i(_IMAX), i3)
    return out_v, out_i


def _make_stage1(n, chunk, r_steps):
    mesh = plsc.VectorSubcoreMesh(
        core_axis_name="c", subcore_axis_name="s",
        num_cores=_NC, num_subcores=_NS)
    full_tiles = n // chunk
    tail_steps = (n - full_tiles * chunk) // _L
    tail_elems = tail_steps * _L
    half = r_steps // 2
    if tail_steps:
        half = min(half, tail_steps)
    h_elems = half * _L

    @functools.partial(
        pl.kernel,
        out_type=(
            jax.ShapeDtypeStruct((_NW, _L), jnp.float32),
            jax.ShapeDtypeStruct((_NW, _L), jnp.int32),
        ),
        mesh=mesh,
        scratch_types=[
            pltpu.VMEM((chunk,), jnp.float32),
            pltpu.VMEM((_L,), jnp.float32),
            pltpu.VMEM((_L,), jnp.int32),
            pltpu.SemaphoreType.DMA,
            pltpu.SemaphoreType.DMA,
        ],
    )
    def stage1(logits_hbm, vals_hbm, idx_hbm, logits_v, vals_v, idx_v,
               sem_a, sem_b):
        wid = lax.axis_index("s") * _NC + lax.axis_index("c")
        base = wid * chunk
        lane = _lane()

        def body(r, carry):
            off = pl.multiple_of(r * _L, _L)
            v = logits_v[pl.ds(off, _L)]
            iv = base + r * _L + lane
            return _insert_top3(carry, v, iv, tie_break=False)

        is_full = wid < full_tiles
        cp_a = pltpu.async_copy(
            logits_hbm.at[pl.ds(base, h_elems)],
            logits_v.at[pl.ds(0, h_elems)], sem_a)

        @pl.when(is_full)
        def _():
            pltpu.async_copy(
                logits_hbm.at[pl.ds(base + h_elems, chunk - h_elems)],
                logits_v.at[pl.ds(h_elems, chunk - h_elems)], sem_b)

        if tail_steps > half:
            @pl.when(jnp.logical_not(is_full))
            def _():
                pltpu.async_copy(
                    logits_hbm.at[pl.ds(base + h_elems,
                                        tail_elems - h_elems)],
                    logits_v.at[pl.ds(h_elems, tail_elems - h_elems)],
                    sem_b)

        if tail_steps and tail_steps < r_steps:
            @pl.when(jnp.logical_not(is_full))
            def _():
                for j in range(r_steps - tail_steps):
                    logits_v[pl.ds(tail_elems + j * _L, _L)] = _splat_f(_NEG)

        cp_a.wait()
        carry = lax.fori_loop(0, half, body, _neg_carry(), unroll=7)
        @pl.when(is_full)
        def _():
            pltpu.make_async_copy(
                logits_hbm.at[pl.ds(base + h_elems, chunk - h_elems)],
                logits_v.at[pl.ds(h_elems, chunk - h_elems)], sem_b).wait()

        if tail_steps > half:
            @pl.when(jnp.logical_not(is_full))
            def _():
                pltpu.make_async_copy(
                    logits_hbm.at[pl.ds(base + h_elems,
                                        tail_elems - h_elems)],
                    logits_v.at[pl.ds(h_elems, tail_elems - h_elems)],
                    sem_b).wait()
        carry = lax.fori_loop(half, r_steps, body, carry, unroll=7)
        out_v, out_i = _extract_top3(*carry)
        vals_v[...] = out_v
        idx_v[...] = out_i
        cw_v = pltpu.async_copy(vals_v, vals_hbm.at[wid], sem_a)
        cw_i = pltpu.async_copy(idx_v, idx_hbm.at[wid], sem_b)
        cw_v.wait()
        cw_i.wait()

    return stage1


def _tc_stage2(vals, idx, node_embs):
    d = node_embs.shape[1]

    def body(vals_ref, idx_ref, embs_ref, out_ref, rows_v, sem):
        cv = vals_ref[...]
        ci = idx_ref[...]
        vs = []
        ws = []
        for t in range(_K):
            m = jnp.max(cv)
            wi = jnp.min(jnp.where(cv == m, ci, _IMAX))
            vs.append(m)
            ws.append(wi)
            kill = (cv == m) & (ci == wi)
            cv = jnp.where(kill, _NEG, cv)
        cps = [
            pltpu.make_async_copy(
                embs_ref.at[pl.ds(ws[t], 1), :],
                rows_v.at[pl.ds(t, 1), :], sem)
            for t in range(_K)
        ]
        for cp in cps:
            cp.start()
        for cp in cps:
            cp.wait()
        w1 = jnp.exp(jnp.full((1, d), jnp.maximum(
            (vs[1] - vs[0]) * _INV_TAU, -100.0), jnp.float32))
        w2 = jnp.exp(jnp.full((1, d), jnp.maximum(
            (vs[2] - vs[0]) * _INV_TAU, -100.0), jnp.float32))
        acc = (rows_v[pl.ds(0, 1), :] + w1 * rows_v[pl.ds(1, 1), :]
               + w2 * rows_v[pl.ds(2, 1), :])
        out_ref[...] = acc / (1.0 + w1 + w2)

    return pl.pallas_call(
        body,
        out_shape=jax.ShapeDtypeStruct((1, d), jnp.float32),
        in_specs=[
            pl.BlockSpec(memory_space=pltpu.VMEM),
            pl.BlockSpec(memory_space=pltpu.VMEM),
            pl.BlockSpec(memory_space=pl.ANY),
        ],
        scratch_shapes=[
            pltpu.VMEM((8, d), jnp.float32),
            pltpu.SemaphoreType.DMA,
        ],
    )(vals, idx, node_embs)


def kernel(importance_logits, node_embs):
    n = importance_logits.shape[0]
    d = node_embs.shape[1]
    r_steps = -(-n // (_NW * _L))
    chunk = r_steps * _L
    if n % _L:
        pad = _L - n % _L
        importance_logits = jnp.pad(importance_logits, (0, pad),
                                    constant_values=_NEG)
        n = n + pad
    vals, idx = _make_stage1(n, chunk, r_steps)(importance_logits)
    return _tc_stage2(vals, idx, node_embs)[0]

# --- scband reference (transcript-rebuilt; emitter-appended) ---
"""Pipeline reference for scband-gumbel-top-k-45844480918195 (READ-ONLY COPY).

The authoritative reference and input builder live on the scoring server;
editing this copy changes nothing except your own understanding.
"""

import jax, jax.numpy as jnp
import numpy as np

_GUMBEL_TAU_EVAL = 0.01
_K = 3

def setup_inputs(seed: int = 0) -> dict:
    key = jax.random.key(seed)
    k1, k2 = jax.random.split(key)
    importance_logits = jax.random.normal(k1, (100000,), dtype=jnp.float32)
    node_embs = jax.random.normal(k2, (100000, 128), dtype=jnp.float32)
    return {"importance_logits": importance_logits, "node_embs": node_embs}

def reference(importance_logits, node_embs):
    # Eval-mode (deterministic) path of GumbelTopK: hard top-k selection
    N = importance_logits.shape[0]
    k = min(_K, N)
    topk_vals, topk_idx = jax.lax.top_k(importance_logits, k)
    sel_w = jax.nn.softmax(topk_vals / _GUMBEL_TAU_EVAL, axis=0)
    weights = jnp.zeros((N,), dtype=importance_logits.dtype).at[topk_idx].set(sel_w)
    return (weights[:, None] * node_embs).sum(axis=0)

if __name__ == "__main__":
    import jax
    _d = setup_inputs()
    print(jax.jit(kernel)(*tuple(_d.values())))

</pallas_src>

<mosaic_0001>
#map = affine_map<(d0, d1) -> (0)>
#map1 = affine_map<(d0, d1) -> (0, 0)>
module attributes {stable_mosaic.version = 14 : i64} {
  func.func @stage1(%arg0: i32, %arg1: i32, %arg2: memref<100000xf32, #tpu.memory_space<hbm>>, %arg3: memref<32x16xf32, #tpu.memory_space<hbm>>, %arg4: memref<32x16xi32, #tpu.memory_space<hbm>>, %arg5: memref<3136xf32, #tpu.memory_space<vmem>>, %arg6: memref<16xf32, #tpu.memory_space<vmem>>, %arg7: memref<16xi32, #tpu.memory_space<vmem>>, %arg8: memref<!tpu.dma_semaphore, #tpu.memory_space<semaphore_mem>>, %arg9: memref<!tpu.dma_semaphore, #tpu.memory_space<semaphore_mem>>) attributes {dimension_semantics = [#tpu.dimension_semantics<core_parallel>, #tpu.dimension_semantics<subcore_parallel>], iteration_bounds = array<i64: 2, 16>, scalar_prefetch = 0 : i64, scratch_operands = 5 : i64, tpu.core_type = #tpu.core_type<sc_vector_subcore>, window_params = [{transform_indices = #map}, {transform_indices = #map1}, {transform_indices = #map1}]} {
    %mul3A = arith.constant 2 : i32
    %mul3A_0 = arith.muli %arg1, %mul3A : i32
    %add3A = arith.addi %mul3A_0, %arg0 : i32
    %mul3A_1 = arith.constant 3136 : i32
    %mul3A_2 = arith.muli %add3A, %mul3A_1 : i32
    %iota3A = tpu.iota {dimensions = array<i32: 0>} : vector<16xi32>
    %lt3A = arith.constant 31 : i32
    %lt3A_3 = arith.cmpi slt, %add3A, %lt3A : i32
    %dma_start3A = arith.constant 0 : i32
    %dma_start3A_4 = tpu.memref_slice %arg5[%dma_start3A] : memref<3136xf32, #tpu.memory_space<vmem>> -> memref<1568xf32, #tpu.memory_space<vmem>>
    %dma_start3A_5 = tpu.memref_slice %arg2[%mul3A_2] : memref<100000xf32, #tpu.memory_space<hbm>> -> memref<1568xf32, #tpu.memory_space<hbm>>
    %dma_start3A_6 = arith.constant 0 : i32
    %dma_start3A_7 = tpu.memref_slice %arg5[%dma_start3A_6] : memref<3136xf32, #tpu.memory_space<vmem>> -> memref<1568xf32, #tpu.memory_space<vmem>>
    %dma_start3A_8 = tpu.memref_slice %arg2[%mul3A_2] : memref<100000xf32, #tpu.memory_space<hbm>> -> memref<1568xf32, #tpu.memory_space<hbm>>
    tpu.enqueue_dma source(%dma_start3A_8 : memref<1568xf32, #tpu.memory_space<hbm>>) target(%dma_start3A_7 : memref<1568xf32, #tpu.memory_space<vmem>>) target_semaphore(%arg8 : memref<!tpu.dma_semaphore, #tpu.memory_space<semaphore_mem>>)
    %convert_element_type3A = arith.extui %lt3A_3 : i1 to i32
    %cond3A = arith.constant 0 : i32
    %cond3A_9 = arith.cmpi ne, %convert_element_type3A, %cond3A : i32
    scf.if %cond3A_9 {
      %add3A_332 = arith.constant 1568 : i32
      %add3A_333 = arith.addi %mul3A_2, %add3A_332 : i32
      %dma_start3A_334 = arith.constant 1568 : i32
      %dma_start3A_335 = tpu.memref_slice %arg5[%dma_start3A_334] : memref<3136xf32, #tpu.memory_space<vmem>> -> memref<1568xf32, #tpu.memory_space<vmem>>
      %dma_start3A_336 = tpu.memref_slice %arg2[%add3A_333] : memref<100000xf32, #tpu.memory_space<hbm>> -> memref<1568xf32, #tpu.memory_space<hbm>>
      %dma_start3A_337 = arith.constant 1568 : i32
      %dma_start3A_338 = tpu.memref_slice %arg5[%dma_start3A_337] : memref<3136xf32, #tpu.memory_space<vmem>> -> memref<1568xf32, #tpu.memory_space<vmem>>
      %dma_start3A_339 = tpu.memref_slice %arg2[%add3A_333] : memref<100000xf32, #tpu.memory_space<hbm>> -> memref<1568xf32, #tpu.memory_space<hbm>>
      tpu.enqueue_dma source(%dma_start3A_339 : memref<1568xf32, #tpu.memory_space<hbm>>) target(%dma_start3A_338 : memref<1568xf32, #tpu.memory_space<vmem>>) target_semaphore(%arg9 : memref<!tpu.dma_semaphore, #tpu.memory_space<semaphore_mem>>)
    } else {
    }
    %not3A = arith.constant true
    %not3A_10 = arith.xori %lt3A_3, %not3A : i1
    %convert_element_type3A_11 = arith.extui %not3A_10 : i1 to i32
    %cond3A_12 = arith.constant 0 : i32
    %cond3A_13 = arith.cmpi ne, %convert_element_type3A_11, %cond3A_12 : i32
    scf.if %cond3A_13 {
      %add3A_332 = arith.constant 1568 : i32
      %add3A_333 = arith.addi %mul3A_2, %add3A_332 : i32
      %dma_start3A_334 = arith.constant 1568 : i32
      %dma_start3A_335 = tpu.memref_slice %arg5[%dma_start3A_334] : memref<3136xf32, #tpu.memory_space<vmem>> -> memref<1216xf32, #tpu.memory_space<vmem>>
      %dma_start3A_336 = tpu.memref_slice %arg2[%add3A_333] : memref<100000xf32, #tpu.memory_space<hbm>> -> memref<1216xf32, #tpu.memory_space<hbm>>
      %dma_start3A_337 = arith.constant 1568 : i32
      %dma_start3A_338 = tpu.memref_slice %arg5[%dma_start3A_337] : memref<3136xf32, #tpu.memory_space<vmem>> -> memref<1216xf32, #tpu.memory_space<vmem>>
      %dma_start3A_339 = tpu.memref_slice %arg2[%add3A_333] : memref<100000xf32, #tpu.memory_space<hbm>> -> memref<1216xf32, #tpu.memory_space<hbm>>
      tpu.enqueue_dma source(%dma_start3A_339 : memref<1216xf32, #tpu.memory_space<hbm>>) target(%dma_start3A_338 : memref<1216xf32, #tpu.memory_space<vmem>>) target_semaphore(%arg9 : memref<!tpu.dma_semaphore, #tpu.memory_space<semaphore_mem>>)
    } else {
    }
    %not3A_14 = arith.constant true
    %not3A_15 = arith.xori %lt3A_3, %not3A_14 : i1
    %convert_element_type3A_16 = arith.extui %not3A_15 : i1 to i32
    %cond3A_17 = arith.constant 0 : i32
    %cond3A_18 = arith.cmpi ne, %convert_element_type3A_16, %cond3A_17 : i32
    scf.if %cond3A_18 {
      %broadcast_in_dim3A_332 = arith.constant 0xFF800000 : f32
      %broadcast_in_dim3A_333 = vector.broadcast %broadcast_in_dim3A_332 : f32 to vector<16xf32>
      %swap3A_334 = arith.constant 2784 : index
      %swap3A_335 = tpu.vector_load %arg5[%swap3A_334] {strides = array<i32>} : memref<3136xf32, #tpu.memory_space<vmem>>, vector<16xf32>,
      %swap3A_336 = vector.shape_cast %swap3A_335 : vector<16xf32> to vector<16xf32>
      %swap3A_337 = vector.shape_cast %broadcast_in_dim3A_333 : vector<16xf32> to vector<16xf32>
      tpu.vector_store %arg5[%swap3A_334], %swap3A_337 {strides = array<i32>} : memref<3136xf32, #tpu.memory_space<vmem>>, vector<16xf32>,
      %broadcast_in_dim3A_338 = arith.constant 0xFF800000 : f32
      %broadcast_in_dim3A_339 = vector.broadcast %broadcast_in_dim3A_338 : f32 to vector<16xf32>
      %swap3A_340 = arith.constant 2800 : index
      %swap3A_341 = tpu.vector_load %arg5[%swap3A_340] {strides = array<i32>} : memref<3136xf32, #tpu.memory_space<vmem>>, vector<16xf32>,
      %swap3A_342 = vector.shape_cast %swap3A_341 : vector<16xf32> to vector<16xf32>
      %swap3A_343 = vector.shape_cast %broadcast_in_dim3A_339 : vector<16xf32> to vector<16xf32>
      tpu.vector_store %arg5[%swap3A_340], %swap3A_343 {strides = array<i32>} : memref<3136xf32, #tpu.memory_space<vmem>>, vector<16xf32>,
      %broadcast_in_dim3A_344 = arith.constant 0xFF800000 : f32
      %broadcast_in_dim3A_345 = vector.broadcast %broadcast_in_dim3A_344 : f32 to vector<16xf32>
      %swap3A_346 = arith.constant 2816 : index
      %swap3A_347 = tpu.vector_load %arg5[%swap3A_346] {strides = array<i32>} : memref<3136xf32, #tpu.memory_space<vmem>>, vector<16xf32>,
      %swap3A_348 = vector.shape_cast %swap3A_347 : vector<16xf32> to vector<16xf32>
      %swap3A_349 = vector.shape_cast %broadcast_in_dim3A_345 : vector<16xf32> to vector<16xf32>
      tpu.vector_store %arg5[%swap3A_346], %swap3A_349 {strides = array<i32>} : memref<3136xf32, #tpu.memory_space<vmem>>, vector<16xf32>,
      %broadcast_in_dim3A_350 = arith.constant 0xFF800000 : f32
      %broadcast_in_dim3A_351 = vector.broadcast %broadcast_in_dim3A_350 : f32 to vector<16xf32>
      %swap3A_352 = arith.constant 2832 : index
      %swap3A_353 = tpu.vector_load %arg5[%swap3A_352] {strides = array<i32>} : memref<3136xf32, #tpu.memory_space<vmem>>, vector<16xf32>,
      %swap3A_354 = vector.shape_cast %swap3A_353 : vector<16xf32> to vector<16xf32>
      %swap3A_355 = vector.shape_cast %broadcast_in_dim3A_351 : vector<16xf32> to vector<16xf32>
      tpu.vector_store %arg5[%swap3A_352], %swap3A_355 {strides = array<i32>} : memref<3136xf32, #tpu.memory_space<vmem>>, vector<16xf32>,
      %broadcast_in_dim3A_356 = arith.constant 0xFF800000 : f32
      %broadcast_in_dim3A_357 = vector.broadcast %broadcast_in_dim3A_356 : f32 to vector<16xf32>
      %swap3A_358 = arith.constant 2848 : index
      %swap3A_359 = tpu.vector_load %arg5[%swap3A_358] {strides = array<i32>} : memref<3136xf32, #tpu.memory_space<vmem>>, vector<16xf32>,
      %swap3A_360 = vector.shape_cast %swap3A_359 : vector<16xf32> to vector<16xf32>
      %swap3A_361 = vector.shape_cast %broadcast_in_dim3A_357 : vector<16xf32> to vector<16xf32>
      tpu.vector_store %arg5[%swap3A_358], %swap3A_361 {strides = array<i32>} : memref<3136xf32, #tpu.memory_space<vmem>>, vector<16xf32>,
      %broadcast_in_dim3A_362 = arith.constant 0xFF800000 : f32
      %broadcast_in_dim3A_363 = vector.broadcast %broadcast_in_dim3A_362 : f32 to vector<16xf32>
      %swap3A_364 = arith.constant 2864 : index
      %swap3A_365 = tpu.vector_load %arg5[%swap3A_364] {strides = array<i32>} : memref<3136xf32, #tpu.memory_space<vmem>>, vector<16xf32>,
      %swap3A_366 = vector.shape_cast %swap3A_365 : vector<16xf32> to vector<16xf32>
      %swap3A_367 = vector.shape_cast %broadcast_in_dim3A_363 : vector<16xf32> to vector<16xf32>
      tpu.vector_store %arg5[%swap3A_364], %swap3A_367 {strides = array<i32>} : memref<3136xf32, #tpu.memory_space<vmem>>, vector<16xf32>,
      %broadcast_in_dim3A_368 = arith.constant 0xFF800000 : f32
      %broadcast_in_dim3A_369 = vector.broadcast %broadcast_in_dim3A_368 : f32 to vector<16xf32>
      %swap3A_370 = arith.constant 2880 : index
      %swap3A_371 = tpu.vector_load %arg5[%swap3A_370] {strides = array<i32>} : memref<3136xf32, #tpu.memory_space<vmem>>, vector<16xf32>,
      %swap3A_372 = vector.shape_cast %swap3A_371 : vector<16xf32> to vector<16xf32>
      %swap3A_373 = vector.shape_cast %broadcast_in_dim3A_369 : vector<16xf32> to vector<16xf32>
      tpu.vector_store %arg5[%swap3A_370], %swap3A_373 {strides = array<i32>} : memref<3136xf32, #tpu.memory_space<vmem>>, vector<16xf32>,
      %broadcast_in_dim3A_374 = arith.constant 0xFF800000 : f32
      %broadcast_in_dim3A_375 = vector.broadcast %broadcast_in_dim3A_374 : f32 to vector<16xf32>
      %swap3A_376 = arith.constant 2896 : index
      %swap3A_377 = tpu.vector_load %arg5[%swap3A_376] {strides = array<i32>} : memref<3136xf32, #tpu.memory_space<vmem>>, vector<16xf32>,
      %swap3A_378 = vector.shape_cast %swap3A_377 : vector<16xf32> to vector<16xf32>
      %swap3A_379 = vector.shape_cast %broadcast_in_dim3A_375 : vector<16xf32> to vector<16xf32>
      tpu.vector_store %arg5[%swap3A_376], %swap3A_379 {strides = array<i32>} : memref<3136xf32, #tpu.memory_space<vmem>>, vector<16xf32>,
      %broadcast_in_dim3A_380 = arith.constant 0xFF800000 : f32
      %broadcast_in_dim3A_381 = vector.broadcast %broadcast_in_dim3A_380 : f32 to vector<16xf32>
      %swap3A_382 = arith.constant 2912 : index
      %swap3A_383 = tpu.vector_load %arg5[%swap3A_382] {strides = array<i32>} : memref<3136xf32, #tpu.memory_space<vmem>>, vector<16xf32>,
      %swap3A_384 = vector.shape_cast %swap3A_383 : vector<16xf32> to vector<16xf32>
      %swap3A_385 = vector.shape_cast %broadcast_in_dim3A_381 : vector<16xf32> to vector<16xf32>
      tpu.vector_store %arg5[%swap3A_382], %swap3A_385 {strides = array<i32>} : memref<3136xf32, #tpu.memory_space<vmem>>, vector<16xf32>,
      %broadcast_in_dim3A_386 = arith.constant 0xFF800000 : f32
      %broadcast_in_dim3A_387 = vector.broadcast %broadcast_in_dim3A_386 : f32 to vector<16xf32>
      %swap3A_388 = arith.constant 2928 : index
      %swap3A_389 = tpu.vector_load %arg5[%swap3A_388] {strides = array<i32>} : memref<3136xf32, #tpu.memory_space<vmem>>, vector<16xf32>,
      %swap3A_390 = vector.shape_cast %swap3A_389 : vector<16xf32> to vector<16xf32>
      %swap3A_391 = vector.shape_cast %broadcast_in_dim3A_387 : vector<16xf32> to vector<16xf32>
      tpu.vector_store %arg5[%swap3A_388], %swap3A_391 {strides = array<i32>} : memref<3136xf32, #tpu.memory_space<vmem>>, vector<16xf32>,
      %broadcast_in_dim3A_392 = arith.constant 0xFF800000 : f32
      %broadcast_in_dim3A_393 = vector.broadcast %broadcast_in_dim3A_392 : f32 to vector<16xf32>
      %swap3A_394 = arith.constant 2944 : index
      %swap3A_395 = tpu.vector_load %arg5[%swap3A_394] {strides = array<i32>} : memref<3136xf32, #tpu.memory_space<vmem>>, vector<16xf32>,
      %swap3A_396 = vector.shape_cast %swap3A_395 : vector<16xf32> to vector<16xf32>
      %swap3A_397 = vector.shape_cast %broadcast_in_dim3A_393 : vector<16xf32> to vector<16xf32>
      tpu.vector_store %arg5[%swap3A_394], %swap3A_397 {strides = array<i32>} : memref<3136xf32, #tpu.memory_space<vmem>>, vector<16xf32>,
      %broadcast_in_dim3A_398 = arith.constant 0xFF800000 : f32
      %broadcast_in_dim3A_399 = vector.broadcast %broadcast_in_dim3A_398 : f32 to vector<16xf32>
      %swap3A_400 = arith.constant 2960 : index
      %swap3A_401 = tpu.vector_load %arg5[%swap3A_400] {strides = array<i32>} : memref<3136xf32, #tpu.memory_space<vmem>>, vector<16xf32>,
      %swap3A_402 = vector.shape_cast %swap3A_401 : vector<16xf32> to vector<16xf32>
      %swap3A_403 = vector.shape_cast %broadcast_in_dim3A_399 : vector<16xf32> to vector<16xf32>
      tpu.vector_store %arg5[%swap3A_400], %swap3A_403 {strides = array<i32>} : memref<3136xf32, #tpu.memory_space<vmem>>, vector<16xf32>,
      %broadcast_in_dim3A_404 = arith.constant 0xFF800000 : f32
      %broadcast_in_dim3A_405 = vector.broadcast %broadcast_in_dim3A_404 : f32 to vector<16xf32>
      %swap3A_406 = arith.constant 2976 : index
      %swap3A_407 = tpu.vector_load %arg5[%swap3A_406] {strides = array<i32>} : memref<3136xf32, #tpu.memory_space<vmem>>, vector<16xf32>,
      %swap3A_408 = vector.shape_cast %swap3A_407 : vector<16xf32> to vector<16xf32>
      %swap3A_409 = vector.shape_cast %broadcast_in_dim3A_405 : vector<16xf32> to vector<16xf32>
      tpu.vector_store %arg5[%swap3A_406], %swap3A_409 {strides = array<i32>} : memref<3136xf32, #tpu.memory_space<vmem>>, vector<16xf32>,
      %broadcast_in_dim3A_410 = arith.constant 0xFF800000 : f32
      %broadcast_in_dim3A_411 = vector.broadcast %broadcast_in_dim3A_410 : f32 to vector<16xf32>
      %swap3A_412 = arith.constant 2992 : index
      %swap3A_413 = tpu.vector_load %arg5[%swap3A_412] {strides = array<i32>} : memref<3136xf32, #tpu.memory_space<vmem>>, vector<16xf32>,
      %swap3A_414 = vector.shape_cast %swap3A_413 : vector<16xf32> to vector<16xf32>
      %swap3A_415 = vector.shape_cast %broadcast_in_dim3A_411 : vector<16xf32> to vector<16xf32>
      tpu.vector_store %arg5[%swap3A_412], %swap3A_415 {strides = array<i32>} : memref<3136xf32, #tpu.memory_space<vmem>>, vector<16xf32>,
      %broadcast_in_dim3A_416 = arith.constant 0xFF800000 : f32
      %broadcast_in_dim3A_417 = vector.broadcast %broadcast_in_dim3A_416 : f32 to vector<16xf32>
      %swap3A_418 = arith.constant 3008 : index
      %swap3A_419 = tpu.vector_load %arg5[%swap3A_418] {strides = array<i32>} : memref<3136xf32, #tpu.memory_space<vmem>>, vector<16xf32>,
      %swap3A_420 = vector.shape_cast %swap3A_419 : vector<16xf32> to vector<16xf32>
      %swap3A_421 = vector.shape_cast %broadcast_in_dim3A_417 : vector<16xf32> to vector<16xf32>
      tpu.vector_store %arg5[%swap3A_418], %swap3A_421 {strides = array<i32>} : memref<3136xf32, #tpu.memory_space<vmem>>, vector<16xf32>,
      %broadcast_in_dim3A_422 = arith.constant 0xFF800000 : f32
      %broadcast_in_dim3A_423 = vector.broadcast %broadcast_in_dim3A_422 : f32 to vector<16xf32>
      %swap3A_424 = arith.constant 3024 : index
      %swap3A_425 = tpu.vector_load %arg5[%swap3A_424] {strides = array<i32>} : memref<3136xf32, #tpu.memory_space<vmem>>, vector<16xf32>,
      %swap3A_426 = vector.shape_cast %swap3A_425 : vector<16xf32> to vector<16xf32>
      %swap3A_427 = vector.shape_cast %broadcast_in_dim3A_423 : vector<16xf32> to vector<16xf32>
      tpu.vector_store %arg5[%swap3A_424], %swap3A_427 {strides = array<i32>} : memref<3136xf32, #tpu.memory_space<vmem>>, vector<16xf32>,
      %broadcast_in_dim3A_428 = arith.constant 0xFF800000 : f32
      %broadcast_in_dim3A_429 = vector.broadcast %broadcast_in_dim3A_428 : f32 to vector<16xf32>
      %swap3A_430 = arith.constant 3040 : index
      %swap3A_431 = tpu.vector_load %arg5[%swap3A_430] {strides = array<i32>} : memref<3136xf32, #tpu.memory_space<vmem>>, vector<16xf32>,
      %swap3A_432 = vector.shape_cast %swap3A_431 : vector<16xf32> to vector<16xf32>
      %swap3A_433 = vector.shape_cast %broadcast_in_dim3A_429 : vector<16xf32> to vector<16xf32>
      tpu.vector_store %arg5[%swap3A_430], %swap3A_433 {strides = array<i32>} : memref<3136xf32, #tpu.memory_space<vmem>>, vector<16xf32>,
      %broadcast_in_dim3A_434 = arith.constant 0xFF800000 : f32
      %broadcast_in_dim3A_435 = vector.broadcast %broadcast_in_dim3A_434 : f32 to vector<16xf32>
      %swap3A_436 = arith.constant 3056 : index
      %swap3A_437 = tpu.vector_load %arg5[%swap3A_436] {strides = array<i32>} : memref<3136xf32, #tpu.memory_space<vmem>>, vector<16xf32>,
      %swap3A_438 = vector.shape_cast %swap3A_437 : vector<16xf32> to vector<16xf32>
      %swap3A_439 = vector.shape_cast %broadcast_in_dim3A_435 : vector<16xf32> to vector<16xf32>
      tpu.vector_store %arg5[%swap3A_436], %swap3A_439 {strides = array<i32>} : memref<3136xf32, #tpu.memory_space<vmem>>, vector<16xf32>,
      %broadcast_in_dim3A_440 = arith.constant 0xFF800000 : f32
      %broadcast_in_dim3A_441 = vector.broadcast %broadcast_in_dim3A_440 : f32 to vector<16xf32>
      %swap3A_442 = arith.constant 3072 : index
      %swap3A_443 = tpu.vector_load %arg5[%swap3A_442] {strides = array<i32>} : memref<3136xf32, #tpu.memory_space<vmem>>, vector<16xf32>,
      %swap3A_444 = vector.shape_cast %swap3A_443 : vector<16xf32> to vector<16xf32>
      %swap3A_445 = vector.shape_cast %broadcast_in_dim3A_441 : vector<16xf32> to vector<16xf32>
      tpu.vector_store %arg5[%swap3A_442], %swap3A_445 {strides = array<i32>} : memref<3136xf32, #tpu.memory_space<vmem>>, vector<16xf32>,
      %broadcast_in_dim3A_446 = arith.constant 0xFF800000 : f32
      %broadcast_in_dim3A_447 = vector.broadcast %broadcast_in_dim3A_446 : f32 to vector<16xf32>
      %swap3A_448 = arith.constant 3088 : index
      %swap3A_449 = tpu.vector_load %arg5[%swap3A_448] {strides = array<i32>} : memref<3136xf32, #tpu.memory_space<vmem>>, vector<16xf32>,
      %swap3A_450 = vector.shape_cast %swap3A_449 : vector<16xf32> to vector<16xf32>
      %swap3A_451 = vector.shape_cast %broadcast_in_dim3A_447 : vector<16xf32> to vector<16xf32>
      tpu.vector_store %arg5[%swap3A_448], %swap3A_451 {strides = array<i32>} : memref<3136xf32, #tpu.memory_space<vmem>>, vector<16xf32>,
      %broadcast_in_dim3A_452 = arith.constant 0xFF800000 : f32
      %broadcast_in_dim3A_453 = vector.broadcast %broadcast_in_dim3A_452 : f32 to vector<16xf32>
      %swap3A_454 = arith.constant 3104 : index
      %swap3A_455 = tpu.vector_load %arg5[%swap3A_454] {strides = array<i32>} : memref<3136xf32, #tpu.memory_space<vmem>>, vector<16xf32>,
      %swap3A_456 = vector.shape_cast %swap3A_455 : vector<16xf32> to vector<16xf32>
      %swap3A_457 = vector.shape_cast %broadcast_in_dim3A_453 : vector<16xf32> to vector<16xf32>
      tpu.vector_store %arg5[%swap3A_454], %swap3A_457 {strides = array<i32>} : memref<3136xf32, #tpu.memory_space<vmem>>, vector<16xf32>,
      %broadcast_in_dim3A_458 = arith.constant 0xFF800000 : f32
      %broadcast_in_dim3A_459 = vector.broadcast %broadcast_in_dim3A_458 : f32 to vector<16xf32>
      %swap3A_460 = arith.constant 3120 : index
      %swap3A_461 = tpu.vector_load %arg5[%swap3A_460] {strides = array<i32>} : memref<3136xf32, #tpu.memory_space<vmem>>, vector<16xf32>,
      %swap3A_462 = vector.shape_cast %swap3A_461 : vector<16xf32> to vector<16xf32>
      %swap3A_463 = vector.shape_cast %broadcast_in_dim3A_459 : vector<16xf32> to vector<16xf32>
      tpu.vector_store %arg5[%swap3A_460], %swap3A_463 {strides = array<i32>} : memref<3136xf32, #tpu.memory_space<vmem>>, vector<16xf32>,
    } else {
    }
    %dma_wait3A = arith.constant 0 : i32
    %dma_wait3A_19 = tpu.memref_slice %arg5[%dma_wait3A] : memref<3136xf32, #tpu.memory_space<vmem>> -> memref<1568xf32, #tpu.memory_space<vmem>>
    %dma_wait3A_20 = tpu.memref_slice %arg2[%mul3A_2] : memref<100000xf32, #tpu.memory_space<hbm>> -> memref<1568xf32, #tpu.memory_space<hbm>>
    %dma_wait3A_21 = arith.constant 0 : i32
    %dma_wait3A_22 = tpu.memref_slice %arg5[%dma_wait3A_21] : memref<3136xf32, #tpu.memory_space<vmem>> -> memref<1568xf32, #tpu.memory_space<vmem>>
    %dma_wait3A_23 = tpu.memref_slice %arg2[%mul3A_2] : memref<100000xf32, #tpu.memory_space<hbm>> -> memref<1568xf32, #tpu.memory_space<hbm>>
    tpu.wait_dma2 semaphore(%arg8 : memref<!tpu.dma_semaphore, #tpu.memory_space<semaphore_mem>>) src(%dma_wait3A_23 : memref<1568xf32, #tpu.memory_space<hbm>>) dst(%dma_wait3A_22 : memref<1568xf32, #tpu.memory_space<vmem>>)
    %broadcast_in_dim3A = arith.constant 0xFF800000 : f32
    %broadcast_in_dim3A_24 = vector.broadcast %broadcast_in_dim3A : f32 to vector<16xf32>
    %broadcast_in_dim3A_25 = arith.constant 0xFF800000 : f32
    %broadcast_in_dim3A_26 = vector.broadcast %broadcast_in_dim3A_25 : f32 to vector<16xf32>
    %broadcast_in_dim3A_27 = arith.constant 0xFF800000 : f32
    %broadcast_in_dim3A_28 = vector.broadcast %broadcast_in_dim3A_27 : f32 to vector<16xf32>
    %broadcast_in_dim3A_29 = arith.constant 2147483647 : i32
    %broadcast_in_dim3A_30 = vector.broadcast %broadcast_in_dim3A_29 : i32 to vector<16xi32>
    %broadcast_in_dim3A_31 = arith.constant 2147483647 : i32
    %broadcast_in_dim3A_32 = vector.broadcast %broadcast_in_dim3A_31 : i32 to vector<16xi32>
    %broadcast_in_dim3A_33 = arith.constant 2147483647 : i32
    %broadcast_in_dim3A_34 = vector.broadcast %broadcast_in_dim3A_33 : i32 to vector<16xi32>
    %scan3A = arith.constant 0 : i32
    %scan3A_35 = arith.constant 98 : i32
    %scan3A_36 = arith.addi %scan3A, %scan3A_35 : i32
    %scan3A_37 = arith.constant 7 : i32
    %scan3A_38:6 = scf.for %scan3A_332 = %scan3A to %scan3A_36 step %scan3A_37 iter_args(%scan3A_333 = %broadcast_in_dim3A_24, %scan3A_334 = %broadcast_in_dim3A_26, %scan3A_335 = %broadcast_in_dim3A_28, %scan3A_336 = %broadcast_in_dim3A_30, %scan3A_337 = %broadcast_in_dim3A_32, %scan3A_338 = %broadcast_in_dim3A_34) -> (vector<16xf32>, vector<16xf32>, vector<16xf32>, vector<16xi32>, vector<16xi32>, vector<16xi32>)  : i32 {
      %mul3A_339 = arith.constant 16 : i32
      %mul3A_340 = arith.muli %scan3A_332, %mul3A_339 : i32
      %multiple_of3A = tpu.assume_multiple %mul3A_340, 16 : i32
      %get3A = arith.index_cast %multiple_of3A : i32 to index
      %get3A_341 = tpu.vector_load %arg5[%get3A] {strides = array<i32>} : memref<3136xf32, #tpu.memory_space<vmem>>, vector<16xf32>,
      %get3A_342 = vector.shape_cast %get3A_341 : vector<16xf32> to vector<16xf32>
      %mul3A_343 = arith.constant 16 : i32
      %mul3A_344 = arith.muli %scan3A_332, %mul3A_343 : i32
      %add3A_345 = arith.addi %mul3A_2, %mul3A_344 : i32
      %add3A_346 = vector.broadcast %add3A_345 : i32 to vector<16xi32>
      %add3A_347 = arith.addi %add3A_346, %iota3A : vector<16xi32>
      %gt3A_348 = arith.cmpf ogt, %get3A_342, %scan3A_333 : vector<16xf32>
      %gt3A_349 = arith.cmpf ogt, %get3A_342, %scan3A_334 : vector<16xf32>
      %gt3A_350 = arith.cmpf ogt, %get3A_342, %scan3A_335 : vector<16xf32>
      %select_n3A_351 = arith.select %gt3A_348, %get3A_342, %scan3A_333 : vector<16xi1>, vector<16xf32>
      %select_n3A_352 = arith.select %gt3A_348, %add3A_347, %scan3A_336 : vector<16xi1>, vector<16xi32>
      %select_n3A_353 = arith.select %gt3A_349, %get3A_342, %scan3A_334 : vector<16xi1>, vector<16xf32>
      %select_n3A_354 = arith.select %gt3A_348, %scan3A_333, %select_n3A_353 : vector<16xi1>, vector<16xf32>
      %select_n3A_355 = arith.select %gt3A_349, %add3A_347, %scan3A_337 : vector<16xi1>, vector<16xi32>
      %select_n3A_356 = arith.select %gt3A_348, %scan3A_336, %select_n3A_355 : vector<16xi1>, vector<16xi32>
      %select_n3A_357 = arith.select %gt3A_350, %get3A_342, %scan3A_335 : vector<16xi1>, vector<16xf32>
      %select_n3A_358 = arith.select %gt3A_349, %scan3A_334, %select_n3A_357 : vector<16xi1>, vector<16xf32>
      %select_n3A_359 = arith.select %gt3A_350, %add3A_347, %scan3A_338 : vector<16xi1>, vector<16xi32>
      %select_n3A_360 = arith.select %gt3A_349, %scan3A_337, %select_n3A_359 : vector<16xi1>, vector<16xi32>
      %scan3A_361 = arith.constant 1 : i32
      %scan3A_362 = arith.addi %scan3A_332, %scan3A_361 : i32
      %mul3A_363 = arith.constant 16 : i32
      %mul3A_364 = arith.muli %scan3A_362, %mul3A_363 : i32
      %multiple_of3A_365 = tpu.assume_multiple %mul3A_364, 16 : i32
      %get3A_366 = arith.index_cast %multiple_of3A_365 : i32 to index
      %get3A_367 = tpu.vector_load %arg5[%get3A_366] {strides = array<i32>} : memref<3136xf32, #tpu.memory_space<vmem>>, vector<16xf32>,
      %get3A_368 = vector.shape_cast %get3A_367 : vector<16xf32> to vector<16xf32>
      %mul3A_369 = arith.constant 16 : i32
      %mul3A_370 = arith.muli %scan3A_362, %mul3A_369 : i32
      %add3A_371 = arith.addi %mul3A_2, %mul3A_370 : i32
      %add3A_372 = vector.broadcast %add3A_371 : i32 to vector<16xi32>
      %add3A_373 = arith.addi %add3A_372, %iota3A : vector<16xi32>
      %gt3A_374 = arith.cmpf ogt, %get3A_368, %select_n3A_351 : vector<16xf32>
      %gt3A_375 = arith.cmpf ogt, %get3A_368, %select_n3A_354 : vector<16xf32>
      %gt3A_376 = arith.cmpf ogt, %get3A_368, %select_n3A_358 : vector<16xf32>
      %select_n3A_377 = arith.select %gt3A_374, %get3A_368, %select_n3A_351 : vector<16xi1>, vector<16xf32>
      %select_n3A_378 = arith.select %gt3A_374, %add3A_373, %select_n3A_352 : vector<16xi1>, vector<16xi32>
      %select_n3A_379 = arith.select %gt3A_375, %get3A_368, %select_n3A_354 : vector<16xi1>, vector<16xf32>
      %select_n3A_380 = arith.select %gt3A_374, %select_n3A_351, %select_n3A_379 : vector<16xi1>, vector<16xf32>
      %select_n3A_381 = arith.select %gt3A_375, %add3A_373, %select_n3A_356 : vector<16xi1>, vector<16xi32>
      %select_n3A_382 = arith.select %gt3A_374, %select_n3A_352, %select_n3A_381 : vector<16xi1>, vector<16xi32>
      %select_n3A_383 = arith.select %gt3A_376, %get3A_368, %select_n3A_358 : vector<16xi1>, vector<16xf32>
      %select_n3A_384 = arith.select %gt3A_375, %select_n3A_354, %select_n3A_383 : vector<16xi1>, vector<16xf32>
      %select_n3A_385 = arith.select %gt3A_376, %add3A_373, %select_n3A_360 : vector<16xi1>, vector<16xi32>
      %select_n3A_386 = arith.select %gt3A_375, %select_n3A_356, %select_n3A_385 : vector<16xi1>, vector<16xi32>
      %scan3A_387 = arith.constant 2 : i32
      %scan3A_388 = arith.addi %scan3A_332, %scan3A_387 : i32
      %mul3A_389 = arith.constant 16 : i32
      %mul3A_390 = arith.muli %scan3A_388, %mul3A_389 : i32
      %multiple_of3A_391 = tpu.assume_multiple %mul3A_390, 16 : i32
      %get3A_392 = arith.index_cast %multiple_of3A_391 : i32 to index
      %get3A_393 = tpu.vector_load %arg5[%get3A_392] {strides = array<i32>} : memref<3136xf32, #tpu.memory_space<vmem>>, vector<16xf32>,
      %get3A_394 = vector.shape_cast %get3A_393 : vector<16xf32> to vector<16xf32>
      %mul3A_395 = arith.constant 16 : i32
      %mul3A_396 = arith.muli %scan3A_388, %mul3A_395 : i32
      %add3A_397 = arith.addi %mul3A_2, %mul3A_396 : i32
      %add3A_398 = vector.broadcast %add3A_397 : i32 to vector<16xi32>
      %add3A_399 = arith.addi %add3A_398, %iota3A : vector<16xi32>
      %gt3A_400 = arith.cmpf ogt, %get3A_394, %select_n3A_377 : vector<16xf32>
      %gt3A_401 = arith.cmpf ogt, %get3A_394, %select_n3A_380 : vector<16xf32>
      %gt3A_402 = arith.cmpf ogt, %get3A_394, %select_n3A_384 : vector<16xf32>
      %select_n3A_403 = arith.select %gt3A_400, %get3A_394, %select_n3A_377 : vector<16xi1>, vector<16xf32>
      %select_n3A_404 = arith.select %gt3A_400, %add3A_399, %select_n3A_378 : vector<16xi1>, vector<16xi32>
      %select_n3A_405 = arith.select %gt3A_401, %get3A_394, %select_n3A_380 : vector<16xi1>, vector<16xf32>
      %select_n3A_406 = arith.select %gt3A_400, %select_n3A_377, %select_n3A_405 : vector<16xi1>, vector<16xf32>
      %select_n3A_407 = arith.select %gt3A_401, %add3A_399, %select_n3A_382 : vector<16xi1>, vector<16xi32>
      %select_n3A_408 = arith.select %gt3A_400, %select_n3A_378, %select_n3A_407 : vector<16xi1>, vector<16xi32>
      %select_n3A_409 = arith.select %gt3A_402, %get3A_394, %select_n3A_384 : vector<16xi1>, vector<16xf32>
      %select_n3A_410 = arith.select %gt3A_401, %select_n3A_380, %select_n3A_409 : vector<16xi1>, vector<16xf32>
      %select_n3A_411 = arith.select %gt3A_402, %add3A_399, %select_n3A_386 : vector<16xi1>, vector<16xi32>
      %select_n3A_412 = arith.select %gt3A_401, %select_n3A_382, %select_n3A_411 : vector<16xi1>, vector<16xi32>
      %scan3A_413 = arith.constant 3 : i32
      %scan3A_414 = arith.addi %scan3A_332, %scan3A_413 : i32
      %mul3A_415 = arith.constant 16 : i32
      %mul3A_416 = arith.muli %scan3A_414, %mul3A_415 : i32
      %multiple_of3A_417 = tpu.assume_multiple %mul3A_416, 16 : i32
      %get3A_418 = arith.index_cast %multiple_of3A_417 : i32 to index
      %get3A_419 = tpu.vector_load %arg5[%get3A_418] {strides = array<i32>} : memref<3136xf32, #tpu.memory_space<vmem>>, vector<16xf32>,
      %get3A_420 = vector.shape_cast %get3A_419 : vector<16xf32> to vector<16xf32>
      %mul3A_421 = arith.constant 16 : i32
      %mul3A_422 = arith.muli %scan3A_414, %mul3A_421 : i32
      %add3A_423 = arith.addi %mul3A_2, %mul3A_422 : i32
      %add3A_424 = vector.broadcast %add3A_423 : i32 to vector<16xi32>
      %add3A_425 = arith.addi %add3A_424, %iota3A : vector<16xi32>
      %gt3A_426 = arith.cmpf ogt, %get3A_420, %select_n3A_403 : vector<16xf32>
      %gt3A_427 = arith.cmpf ogt, %get3A_420, %select_n3A_406 : vector<16xf32>
      %gt3A_428 = arith.cmpf ogt, %get3A_420, %select_n3A_410 : vector<16xf32>
      %select_n3A_429 = arith.select %gt3A_426, %get3A_420, %select_n3A_403 : vector<16xi1>, vector<16xf32>
      %select_n3A_430 = arith.select %gt3A_426, %add3A_425, %select_n3A_404 : vector<16xi1>, vector<16xi32>
      %select_n3A_431 = arith.select %gt3A_427, %get3A_420, %select_n3A_406 : vector<16xi1>, vector<16xf32>
      %select_n3A_432 = arith.select %gt3A_426, %select_n3A_403, %select_n3A_431 : vector<16xi1>, vector<16xf32>
      %select_n3A_433 = arith.select %gt3A_427, %add3A_425, %select_n3A_408 : vector<16xi1>, vector<16xi32>
      %select_n3A_434 = arith.select %gt3A_426, %select_n3A_404, %select_n3A_433 : vector<16xi1>, vector<16xi32>
      %select_n3A_435 = arith.select %gt3A_428, %get3A_420, %select_n3A_410 : vector<16xi1>, vector<16xf32>
      %select_n3A_436 = arith.select %gt3A_427, %select_n3A_406, %select_n3A_435 : vector<16xi1>, vector<16xf32>
      %select_n3A_437 = arith.select %gt3A_428, %add3A_425, %select_n3A_412 : vector<16xi1>, vector<16xi32>
      %select_n3A_438 = arith.select %gt3A_427, %select_n3A_408, %select_n3A_437 : vector<16xi1>, vector<16xi32>
      %scan3A_439 = arith.constant 4 : i32
      %scan3A_440 = arith.addi %scan3A_332, %scan3A_439 : i32
      %mul3A_441 = arith.constant 16 : i32
      %mul3A_442 = arith.muli %scan3A_440, %mul3A_441 : i32
      %multiple_of3A_443 = tpu.assume_multiple %mul3A_442, 16 : i32
      %get3A_444 = arith.index_cast %multiple_of3A_443 : i32 to index
      %get3A_445 = tpu.vector_load %arg5[%get3A_444] {strides = array<i32>} : memref<3136xf32, #tpu.memory_space<vmem>>, vector<16xf32>,
      %get3A_446 = vector.shape_cast %get3A_445 : vector<16xf32> to vector<16xf32>
      %mul3A_447 = arith.constant 16 : i32
      %mul3A_448 = arith.muli %scan3A_440, %mul3A_447 : i32
      %add3A_449 = arith.addi %mul3A_2, %mul3A_448 : i32
      %add3A_450 = vector.broadcast %add3A_449 : i32 to vector<16xi32>
      %add3A_451 = arith.addi %add3A_450, %iota3A : vector<16xi32>
      %gt3A_452 = arith.cmpf ogt, %get3A_446, %select_n3A_429 : vector<16xf32>
      %gt3A_453 = arith.cmpf ogt, %get3A_446, %select_n3A_432 : vector<16xf32>
      %gt3A_454 = arith.cmpf ogt, %get3A_446, %select_n3A_436 : vector<16xf32>
      %select_n3A_455 = arith.select %gt3A_452, %get3A_446, %select_n3A_429 : vector<16xi1>, vector<16xf32>
      %select_n3A_456 = arith.select %gt3A_452, %add3A_451, %select_n3A_430 : vector<16xi1>, vector<16xi32>
      %select_n3A_457 = arith.select %gt3A_453, %get3A_446, %select_n3A_432 : vector<16xi1>, vector<16xf32>
      %select_n3A_458 = arith.select %gt3A_452, %select_n3A_429, %select_n3A_457 : vector<16xi1>, vector<16xf32>
      %select_n3A_459 = arith.select %gt3A_453, %add3A_451, %select_n3A_434 : vector<16xi1>, vector<16xi32>
      %select_n3A_460 = arith.select %gt3A_452, %select_n3A_430, %select_n3A_459 : vector<16xi1>, vector<16xi32>
      %select_n3A_461 = arith.select %gt3A_454, %get3A_446, %select_n3A_436 : vector<16xi1>, vector<16xf32>
      %select_n3A_462 = arith.select %gt3A_453, %select_n3A_432, %select_n3A_461 : vector<16xi1>, vector<16xf32>
      %select_n3A_463 = arith.select %gt3A_454, %add3A_451, %select_n3A_438 : vector<16xi1>, vector<16xi32>
      %select_n3A_464 = arith.select %gt3A_453, %select_n3A_434, %select_n3A_463 : vector<16xi1>, vector<16xi32>
      %scan3A_465 = arith.constant 5 : i32
      %scan3A_466 = arith.addi %scan3A_332, %scan3A_465 : i32
      %mul3A_467 = arith.constant 16 : i32
      %mul3A_468 = arith.muli %scan3A_466, %mul3A_467 : i32
      %multiple_of3A_469 = tpu.assume_multiple %mul3A_468, 16 : i32
      %get3A_470 = arith.index_cast %multiple_of3A_469 : i32 to index
      %get3A_471 = tpu.vector_load %arg5[%get3A_470] {strides = array<i32>} : memref<3136xf32, #tpu.memory_space<vmem>>, vector<16xf32>,
      %get3A_472 = vector.shape_cast %get3A_471 : vector<16xf32> to vector<16xf32>
      %mul3A_473 = arith.constant 16 : i32
      %mul3A_474 = arith.muli %scan3A_466, %mul3A_473 : i32
      %add3A_475 = arith.addi %mul3A_2, %mul3A_474 : i32
      %add3A_476 = vector.broadcast %add3A_475 : i32 to vector<16xi32>
      %add3A_477 = arith.addi %add3A_476, %iota3A : vector<16xi32>
      %gt3A_478 = arith.cmpf ogt, %get3A_472, %select_n3A_455 : vector<16xf32>
      %gt3A_479 = arith.cmpf ogt, %get3A_472, %select_n3A_458 : vector<16xf32>
      %gt3A_480 = arith.cmpf ogt, %get3A_472, %select_n3A_462 : vector<16xf32>
      %select_n3A_481 = arith.select %gt3A_478, %get3A_472, %select_n3A_455 : vector<16xi1>, vector<16xf32>
      %select_n3A_482 = arith.select %gt3A_478, %add3A_477, %select_n3A_456 : vector<16xi1>, vector<16xi32>
      %select_n3A_483 = arith.select %gt3A_479, %get3A_472, %select_n3A_458 : vector<16xi1>, vector<16xf32>
      %select_n3A_484 = arith.select %gt3A_478, %select_n3A_455, %select_n3A_483 : vector<16xi1>, vector<16xf32>
      %select_n3A_485 = arith.select %gt3A_479, %add3A_477, %select_n3A_460 : vector<16xi1>, vector<16xi32>
      %select_n3A_486 = arith.select %gt3A_478, %select_n3A_456, %select_n3A_485 : vector<16xi1>, vector<16xi32>
      %select_n3A_487 = arith.select %gt3A_480, %get3A_472, %select_n3A_462 : vector<16xi1>, vector<16xf32>
      %select_n3A_488 = arith.select %gt3A_479, %select_n3A_458, %select_n3A_487 : vector<16xi1>, vector<16xf32>
      %select_n3A_489 = arith.select %gt3A_480, %add3A_477, %select_n3A_464 : vector<16xi1>, vector<16xi32>
      %select_n3A_490 = arith.select %gt3A_479, %select_n3A_460, %select_n3A_489 : vector<16xi1>, vector<16xi32>
      %scan3A_491 = arith.constant 6 : i32
      %scan3A_492 = arith.addi %scan3A_332, %scan3A_491 : i32
      %mul3A_493 = arith.constant 16 : i32
      %mul3A_494 = arith.muli %scan3A_492, %mul3A_493 : i32
      %multiple_of3A_495 = tpu.assume_multiple %mul3A_494, 16 : i32
      %get3A_496 = arith.index_cast %multiple_of3A_495 : i32 to index
      %get3A_497 = tpu.vector_load %arg5[%get3A_496] {strides = array<i32>} : memref<3136xf32, #tpu.memory_space<vmem>>, vector<16xf32>,
      %get3A_498 = vector.shape_cast %get3A_497 : vector<16xf32> to vector<16xf32>
      %mul3A_499 = arith.constant 16 : i32
      %mul3A_500 = arith.muli %scan3A_492, %mul3A_499 : i32
      %add3A_501 = arith.addi %mul3A_2, %mul3A_500 : i32
      %add3A_502 = vector.broadcast %add3A_501 : i32 to vector<16xi32>
      %add3A_503 = arith.addi %add3A_502, %iota3A : vector<16xi32>
      %gt3A_504 = arith.cmpf ogt, %get3A_498, %select_n3A_481 : vector<16xf32>
      %gt3A_505 = arith.cmpf ogt, %get3A_498, %select_n3A_484 : vector<16xf32>
      %gt3A_506 = arith.cmpf ogt, %get3A_498, %select_n3A_488 : vector<16xf32>
      %select_n3A_507 = arith.select %gt3A_504, %get3A_498, %select_n3A_481 : vector<16xi1>, vector<16xf32>
      %select_n3A_508 = arith.select %gt3A_504, %add3A_503, %select_n3A_482 : vector<16xi1>, vector<16xi32>
      %select_n3A_509 = arith.select %gt3A_505, %get3A_498, %select_n3A_484 : vector<16xi1>, vector<16xf32>
      %select_n3A_510 = arith.select %gt3A_504, %select_n3A_481, %select_n3A_509 : vector<16xi1>, vector<16xf32>
      %select_n3A_511 = arith.select %gt3A_505, %add3A_503, %select_n3A_486 : vector<16xi1>, vector<16xi32>
      %select_n3A_512 = arith.select %gt3A_504, %select_n3A_482, %select_n3A_511 : vector<16xi1>, vector<16xi32>
      %select_n3A_513 = arith.select %gt3A_506, %get3A_498, %select_n3A_488 : vector<16xi1>, vector<16xf32>
      %select_n3A_514 = arith.select %gt3A_505, %select_n3A_484, %select_n3A_513 : vector<16xi1>, vector<16xf32>
      %select_n3A_515 = arith.select %gt3A_506, %add3A_503, %select_n3A_490 : vector<16xi1>, vector<16xi32>
      %select_n3A_516 = arith.select %gt3A_505, %select_n3A_486, %select_n3A_515 : vector<16xi1>, vector<16xi32>
      scf.yield %select_n3A_507, %select_n3A_510, %select_n3A_514, %select_n3A_508, %select_n3A_512, %select_n3A_516 : vector<16xf32>, vector<16xf32>, vector<16xf32>, vector<16xi32>, vector<16xi32>, vector<16xi32>
    }
    %scan3A_39 = arith.constant 98 : i32
    %convert_element_type3A_40 = arith.extui %lt3A_3 : i1 to i32
    %cond3A_41 = arith.constant 0 : i32
    %cond3A_42 = arith.cmpi ne, %convert_element_type3A_40, %cond3A_41 : i32
    scf.if %cond3A_42 {
      %add3A_332 = arith.constant 1568 : i32
      %add3A_333 = arith.addi %mul3A_2, %add3A_332 : i32
      %dma_wait3A_334 = arith.constant 1568 : i32
      %dma_wait3A_335 = tpu.memref_slice %arg5[%dma_wait3A_334] : memref<3136xf32, #tpu.memory_space<vmem>> -> memref<1568xf32, #tpu.memory_space<vmem>>
      %dma_wait3A_336 = tpu.memref_slice %arg2[%add3A_333] : memref<100000xf32, #tpu.memory_space<hbm>> -> memref<1568xf32, #tpu.memory_space<hbm>>
      %dma_wait3A_337 = arith.constant 1568 : i32
      %dma_wait3A_338 = tpu.memref_slice %arg5[%dma_wait3A_337] : memref<3136xf32, #tpu.memory_space<vmem>> -> memref<1568xf32, #tpu.memory_space<vmem>>
      %dma_wait3A_339 = tpu.memref_slice %arg2[%add3A_333] : memref<100000xf32, #tpu.memory_space<hbm>> -> memref<1568xf32, #tpu.memory_space<hbm>>
      tpu.wait_dma2 semaphore(%arg9 : memref<!tpu.dma_semaphore, #tpu.memory_space<semaphore_mem>>) src(%dma_wait3A_339 : memref<1568xf32, #tpu.memory_space<hbm>>) dst(%dma_wait3A_338 : memref<1568xf32, #tpu.memory_space<vmem>>)
    } else {
    }
    %not3A_43 = arith.constant true
    %not3A_44 = arith.xori %lt3A_3, %not3A_43 : i1
    %convert_element_type3A_45 = arith.extui %not3A_44 : i1 to i32
    %cond3A_46 = arith.constant 0 : i32
    %cond3A_47 = arith.cmpi ne, %convert_element_type3A_45, %cond3A_46 : i32
    scf.if %cond3A_47 {
      %add3A_332 = arith.constant 1568 : i32
      %add3A_333 = arith.addi %mul3A_2, %add3A_332 : i32
      %dma_wait3A_334 = arith.constant 1568 : i32
      %dma_wait3A_335 = tpu.memref_slice %arg5[%dma_wait3A_334] : memref<3136xf32, #tpu.memory_space<vmem>> -> memref<1216xf32, #tpu.memory_space<vmem>>
      %dma_wait3A_336 = tpu.memref_slice %arg2[%add3A_333] : memref<100000xf32, #tpu.memory_space<hbm>> -> memref<1216xf32, #tpu.memory_space<hbm>>
      %dma_wait3A_337 = arith.constant 1568 : i32
      %dma_wait3A_338 = tpu.memref_slice %arg5[%dma_wait3A_337] : memref<3136xf32, #tpu.memory_space<vmem>> -> memref<1216xf32, #tpu.memory_space<vmem>>
      %dma_wait3A_339 = tpu.memref_slice %arg2[%add3A_333] : memref<100000xf32, #tpu.memory_space<hbm>> -> memref<1216xf32, #tpu.memory_space<hbm>>
      tpu.wait_dma2 semaphore(%arg9 : memref<!tpu.dma_semaphore, #tpu.memory_space<semaphore_mem>>) src(%dma_wait3A_339 : memref<1216xf32, #tpu.memory_space<hbm>>) dst(%dma_wait3A_338 : memref<1216xf32, #tpu.memory_space<vmem>>)
    } else {
    }
    %scan3A_48 = arith.constant 98 : i32
    %scan3A_49 = arith.constant 98 : i32
    %scan3A_50 = arith.addi %scan3A_48, %scan3A_49 : i32
    %scan3A_51 = arith.constant 7 : i32
    %scan3A_52:6 = scf.for %scan3A_332 = %scan3A_48 to %scan3A_50 step %scan3A_51 iter_args(%scan3A_333 = %scan3A_38#0, %scan3A_334 = %scan3A_38#1, %scan3A_335 = %scan3A_38#2, %scan3A_336 = %scan3A_38#3, %scan3A_337 = %scan3A_38#4, %scan3A_338 = %scan3A_38#5) -> (vector<16xf32>, vector<16xf32>, vector<16xf32>, vector<16xi32>, vector<16xi32>, vector<16xi32>)  : i32 {
      %mul3A_339 = arith.constant 16 : i32
      %mul3A_340 = arith.muli %scan3A_332, %mul3A_339 : i32
      %multiple_of3A = tpu.assume_multiple %mul3A_340, 16 : i32
      %get3A = arith.index_cast %multiple_of3A : i32 to index
      %get3A_341 = tpu.vector_load %arg5[%get3A] {strides = array<i32>} : memref<3136xf32, #tpu.memory_space<vmem>>, vector<16xf32>,
      %get3A_342 = vector.shape_cast %get3A_341 : vector<16xf32> to vector<16xf32>
      %mul3A_343 = arith.constant 16 : i32
      %mul3A_344 = arith.muli %scan3A_332, %mul3A_343 : i32
      %add3A_345 = arith.addi %mul3A_2, %mul3A_344 : i32
      %add3A_346 = vector.broadcast %add3A_345 : i32 to vector<16xi32>
      %add3A_347 = arith.addi %add3A_346, %iota3A : vector<16xi32>
      %gt3A_348 = arith.cmpf ogt, %get3A_342, %scan3A_333 : vector<16xf32>
      %gt3A_349 = arith.cmpf ogt, %get3A_342, %scan3A_334 : vector<16xf32>
      %gt3A_350 = arith.cmpf ogt, %get3A_342, %scan3A_335 : vector<16xf32>
      %select_n3A_351 = arith.select %gt3A_348, %get3A_342, %scan3A_333 : vector<16xi1>, vector<16xf32>
      %select_n3A_352 = arith.select %gt3A_348, %add3A_347, %scan3A_336 : vector<16xi1>, vector<16xi32>
      %select_n3A_353 = arith.select %gt3A_349, %get3A_342, %scan3A_334 : vector<16xi1>, vector<16xf32>
      %select_n3A_354 = arith.select %gt3A_348, %scan3A_333, %select_n3A_353 : vector<16xi1>, vector<16xf32>
      %select_n3A_355 = arith.select %gt3A_349, %add3A_347, %scan3A_337 : vector<16xi1>, vector<16xi32>
      %select_n3A_356 = arith.select %gt3A_348, %scan3A_336, %select_n3A_355 : vector<16xi1>, vector<16xi32>
      %select_n3A_357 = arith.select %gt3A_350, %get3A_342, %scan3A_335 : vector<16xi1>, vector<16xf32>
      %select_n3A_358 = arith.select %gt3A_349, %scan3A_334, %select_n3A_357 : vector<16xi1>, vector<16xf32>
      %select_n3A_359 = arith.select %gt3A_350, %add3A_347, %scan3A_338 : vector<16xi1>, vector<16xi32>
      %select_n3A_360 = arith.select %gt3A_349, %scan3A_337, %select_n3A_359 : vector<16xi1>, vector<16xi32>
      %scan3A_361 = arith.constant 1 : i32
      %scan3A_362 = arith.addi %scan3A_332, %scan3A_361 : i32
      %mul3A_363 = arith.constant 16 : i32
      %mul3A_364 = arith.muli %scan3A_362, %mul3A_363 : i32
      %multiple_of3A_365 = tpu.assume_multiple %mul3A_364, 16 : i32
      %get3A_366 = arith.index_cast %multiple_of3A_365 : i32 to index
      %get3A_367 = tpu.vector_load %arg5[%get3A_366] {strides = array<i32>} : memref<3136xf32, #tpu.memory_space<vmem>>, vector<16xf32>,
      %get3A_368 = vector.shape_cast %get3A_367 : vector<16xf32> to vector<16xf32>
      %mul3A_369 = arith.constant 16 : i32
      %mul3A_370 = arith.muli %scan3A_362, %mul3A_369 : i32
      %add3A_371 = arith.addi %mul3A_2, %mul3A_370 : i32
      %add3A_372 = vector.broadcast %add3A_371 : i32 to vector<16xi32>
      %add3A_373 = arith.addi %add3A_372, %iota3A : vector<16xi32>
      %gt3A_374 = arith.cmpf ogt, %get3A_368, %select_n3A_351 : vector<16xf32>
      %gt3A_375 = arith.cmpf ogt, %get3A_368, %select_n3A_354 : vector<16xf32>
      %gt3A_376 = arith.cmpf ogt, %get3A_368, %select_n3A_358 : vector<16xf32>
      %select_n3A_377 = arith.select %gt3A_374, %get3A_368, %select_n3A_351 : vector<16xi1>, vector<16xf32>
      %select_n3A_378 = arith.select %gt3A_374, %add3A_373, %select_n3A_352 : vector<16xi1>, vector<16xi32>
      %select_n3A_379 = arith.select %gt3A_375, %get3A_368, %select_n3A_354 : vector<16xi1>, vector<16xf32>
      %select_n3A_380 = arith.select %gt3A_374, %select_n3A_351, %select_n3A_379 : vector<16xi1>, vector<16xf32>
      %select_n3A_381 = arith.select %gt3A_375, %add3A_373, %select_n3A_356 : vector<16xi1>, vector<16xi32>
      %select_n3A_382 = arith.select %gt3A_374, %select_n3A_352, %select_n3A_381 : vector<16xi1>, vector<16xi32>
      %select_n3A_383 = arith.select %gt3A_376, %get3A_368, %select_n3A_358 : vector<16xi1>, vector<16xf32>
      %select_n3A_384 = arith.select %gt3A_375, %select_n3A_354, %select_n3A_383 : vector<16xi1>, vector<16xf32>
      %select_n3A_385 = arith.select %gt3A_376, %add3A_373, %select_n3A_360 : vector<16xi1>, vector<16xi32>
      %select_n3A_386 = arith.select %gt3A_375, %select_n3A_356, %select_n3A_385 : vector<16xi1>, vector<16xi32>
      %scan3A_387 = arith.constant 2 : i32
      %scan3A_388 = arith.addi %scan3A_332, %scan3A_387 : i32
      %mul3A_389 = arith.constant 16 : i32
      %mul3A_390 = arith.muli %scan3A_388, %mul3A_389 : i32
      %multiple_of3A_391 = tpu.assume_multiple %mul3A_390, 16 : i32
      %get3A_392 = arith.index_cast %multiple_of3A_391 : i32 to index
      %get3A_393 = tpu.vector_load %arg5[%get3A_392] {strides = array<i32>} : memref<3136xf32, #tpu.memory_space<vmem>>, vector<16xf32>,
      %get3A_394 = vector.shape_cast %get3A_393 : vector<16xf32> to vector<16xf32>
      %mul3A_395 = arith.constant 16 : i32
      %mul3A_396 = arith.muli %scan3A_388, %mul3A_395 : i32
      %add3A_397 = arith.addi %mul3A_2, %mul3A_396 : i32
      %add3A_398 = vector.broadcast %add3A_397 : i32 to vector<16xi32>
      %add3A_399 = arith.addi %add3A_398, %iota3A : vector<16xi32>
      %gt3A_400 = arith.cmpf ogt, %get3A_394, %select_n3A_377 : vector<16xf32>
      %gt3A_401 = arith.cmpf ogt, %get3A_394, %select_n3A_380 : vector<16xf32>
      %gt3A_402 = arith.cmpf ogt, %get3A_394, %select_n3A_384 : vector<16xf32>
      %select_n3A_403 = arith.select %gt3A_400, %get3A_394, %select_n3A_377 : vector<16xi1>, vector<16xf32>
      %select_n3A_404 = arith.select %gt3A_400, %add3A_399, %select_n3A_378 : vector<16xi1>, vector<16xi32>
      %select_n3A_405 = arith.select %gt3A_401, %get3A_394, %select_n3A_380 : vector<16xi1>, vector<16xf32>
      %select_n3A_406 = arith.select %gt3A_400, %select_n3A_377, %select_n3A_405 : vector<16xi1>, vector<16xf32>
      %select_n3A_407 = arith.select %gt3A_401, %add3A_399, %select_n3A_382 : vector<16xi1>, vector<16xi32>
      %select_n3A_408 = arith.select %gt3A_400, %select_n3A_378, %select_n3A_407 : vector<16xi1>, vector<16xi32>
      %select_n3A_409 = arith.select %gt3A_402, %get3A_394, %select_n3A_384 : vector<16xi1>, vector<16xf32>
      %select_n3A_410 = arith.select %gt3A_401, %select_n3A_380, %select_n3A_409 : vector<16xi1>, vector<16xf32>
      %select_n3A_411 = arith.select %gt3A_402, %add3A_399, %select_n3A_386 : vector<16xi1>, vector<16xi32>
      %select_n3A_412 = arith.select %gt3A_401, %select_n3A_382, %select_n3A_411 : vector<16xi1>, vector<16xi32>
      %scan3A_413 = arith.constant 3 : i32
      %scan3A_414 = arith.addi %scan3A_332, %scan3A_413 : i32
      %mul3A_415 = arith.constant 16 : i32
      %mul3A_416 = arith.muli %scan3A_414, %mul3A_415 : i32
      %multiple_of3A_417 = tpu.assume_multiple %mul3A_416, 16 : i32
      %get3A_418 = arith.index_cast %multiple_of3A_417 : i32 to index
      %get3A_419 = tpu.vector_load %arg5[%get3A_418] {strides = array<i32>} : memref<3136xf32, #tpu.memory_space<vmem>>, vector<16xf32>,
      %get3A_420 = vector.shape_cast %get3A_419 : vector<16xf32> to vector<16xf32>
      %mul3A_421 = arith.constant 16 : i32
      %mul3A_422 = arith.muli %scan3A_414, %mul3A_421 : i32
      %add3A_423 = arith.addi %mul3A_2, %mul3A_422 : i32
      %add3A_424 = vector.broadcast %add3A_423 : i32 to vector<16xi32>
      %add3A_425 = arith.addi %add3A_424, %iota3A : vector<16xi32>
      %gt3A_426 = arith.cmpf ogt, %get3A_420, %select_n3A_403 : vector<16xf32>
      %gt3A_427 = arith.cmpf ogt, %get3A_420, %select_n3A_406 : vector<16xf32>
      %gt3A_428 = arith.cmpf ogt, %get3A_420, %select_n3A_410 : vector<16xf32>
      %select_n3A_429 = arith.select %gt3A_426, %get3A_420, %select_n3A_403 : vector<16xi1>, vector<16xf32>
      %select_n3A_430 = arith.select %gt3A_426, %add3A_425, %select_n3A_404 : vector<16xi1>, vector<16xi32>
      %select_n3A_431 = arith.select %gt3A_427, %get3A_420, %select_n3A_406 : vector<16xi1>, vector<16xf32>
      %select_n3A_432 = arith.select %gt3A_426, %select_n3A_403, %select_n3A_431 : vector<16xi1>, vector<16xf32>
      %select_n3A_433 = arith.select %gt3A_427, %add3A_425, %select_n3A_408 : vector<16xi1>, vector<16xi32>
      %select_n3A_434 = arith.select %gt3A_426, %select_n3A_404, %select_n3A_433 : vector<16xi1>, vector<16xi32>
      %select_n3A_435 = arith.select %gt3A_428, %get3A_420, %select_n3A_410 : vector<16xi1>, vector<16xf32>
      %select_n3A_436 = arith.select %gt3A_427, %select_n3A_406, %select_n3A_435 : vector<16xi1>, vector<16xf32>
      %select_n3A_437 = arith.select %gt3A_428, %add3A_425, %select_n3A_412 : vector<16xi1>, vector<16xi32>
      %select_n3A_438 = arith.select %gt3A_427, %select_n3A_408, %select_n3A_437 : vector<16xi1>, vector<16xi32>
      %scan3A_439 = arith.constant 4 : i32
      %scan3A_440 = arith.addi %scan3A_332, %scan3A_439 : i32
      %mul3A_441 = arith.constant 16 : i32
      %mul3A_442 = arith.muli %scan3A_440, %mul3A_441 : i32
      %multiple_of3A_443 = tpu.assume_multiple %mul3A_442, 16 : i32
      %get3A_444 = arith.index_cast %multiple_of3A_443 : i32 to index
      %get3A_445 = tpu.vector_load %arg5[%get3A_444] {strides = array<i32>} : memref<3136xf32, #tpu.memory_space<vmem>>, vector<16xf32>,
      %get3A_446 = vector.shape_cast %get3A_445 : vector<16xf32> to vector<16xf32>
      %mul3A_447 = arith.constant 16 : i32
      %mul3A_448 = arith.muli %scan3A_440, %mul3A_447 : i32
      %add3A_449 = arith.addi %mul3A_2, %mul3A_448 : i32
      %add3A_450 = vector.broadcast %add3A_449 : i32 to vector<16xi32>
      %add3A_451 = arith.addi %add3A_450, %iota3A : vector<16xi32>
      %gt3A_452 = arith.cmpf ogt, %get3A_446, %select_n3A_429 : vector<16xf32>
      %gt3A_453 = arith.cmpf ogt, %get3A_446, %select_n3A_432 : vector<16xf32>
      %gt3A_454 = arith.cmpf ogt, %get3A_446, %select_n3A_436 : vector<16xf32>
      %select_n3A_455 = arith.select %gt3A_452, %get3A_446, %select_n3A_429 : vector<16xi1>, vector<16xf32>
      %select_n3A_456 = arith.select %gt3A_452, %add3A_451, %select_n3A_430 : vector<16xi1>, vector<16xi32>
      %select_n3A_457 = arith.select %gt3A_453, %get3A_446, %select_n3A_432 : vector<16xi1>, vector<16xf32>
      %select_n3A_458 = arith.select %gt3A_452, %select_n3A_429, %select_n3A_457 : vector<16xi1>, vector<16xf32>
      %select_n3A_459 = arith.select %gt3A_453, %add3A_451, %select_n3A_434 : vector<16xi1>, vector<16xi32>
      %select_n3A_460 = arith.select %gt3A_452, %select_n3A_430, %select_n3A_459 : vector<16xi1>, vector<16xi32>
      %select_n3A_461 = arith.select %gt3A_454, %get3A_446, %select_n3A_436 : vector<16xi1>, vector<16xf32>
      %select_n3A_462 = arith.select %gt3A_453, %select_n3A_432, %select_n3A_461 : vector<16xi1>, vector<16xf32>
      %select_n3A_463 = arith.select %gt3A_454, %add3A_451, %select_n3A_438 : vector<16xi1>, vector<16xi32>
      %select_n3A_464 = arith.select %gt3A_453, %select_n3A_434, %select_n3A_463 : vector<16xi1>, vector<16xi32>
      %scan3A_465 = arith.constant 5 : i32
      %scan3A_466 = arith.addi %scan3A_332, %scan3A_465 : i32
      %mul3A_467 = arith.constant 16 : i32
      %mul3A_468 = arith.muli %scan3A_466, %mul3A_467 : i32
      %multiple_of3A_469 = tpu.assume_multiple %mul3A_468, 16 : i32
      %get3A_470 = arith.index_cast %multiple_of3A_469 : i32 to index
      %get3A_471 = tpu.vector_load %arg5[%get3A_470] {strides = array<i32>} : memref<3136xf32, #tpu.memory_space<vmem>>, vector<16xf32>,
      %get3A_472 = vector.shape_cast %get3A_471 : vector<16xf32> to vector<16xf32>
      %mul3A_473 = arith.constant 16 : i32
      %mul3A_474 = arith.muli %scan3A_466, %mul3A_473 : i32
      %add3A_475 = arith.addi %mul3A_2, %mul3A_474 : i32
      %add3A_476 = vector.broadcast %add3A_475 : i32 to vector<16xi32>
      %add3A_477 = arith.addi %add3A_476, %iota3A : vector<16xi32>
      %gt3A_478 = arith.cmpf ogt, %get3A_472, %select_n3A_455 : vector<16xf32>
      %gt3A_479 = arith.cmpf ogt, %get3A_472, %select_n3A_458 : vector<16xf32>
      %gt3A_480 = arith.cmpf ogt, %get3A_472, %select_n3A_462 : vector<16xf32>
      %select_n3A_481 = arith.select %gt3A_478, %get3A_472, %select_n3A_455 : vector<16xi1>, vector<16xf32>
      %select_n3A_482 = arith.select %gt3A_478, %add3A_477, %select_n3A_456 : vector<16xi1>, vector<16xi32>
      %select_n3A_483 = arith.select %gt3A_479, %get3A_472, %select_n3A_458 : vector<16xi1>, vector<16xf32>
      %select_n3A_484 = arith.select %gt3A_478, %select_n3A_455, %select_n3A_483 : vector<16xi1>, vector<16xf32>
      %select_n3A_485 = arith.select %gt3A_479, %add3A_477, %select_n3A_460 : vector<16xi1>, vector<16xi32>
      %select_n3A_486 = arith.select %gt3A_478, %select_n3A_456, %select_n3A_485 : vector<16xi1>, vector<16xi32>
      %select_n3A_487 = arith.select %gt3A_480, %get3A_472, %select_n3A_462 : vector<16xi1>, vector<16xf32>
      %select_n3A_488 = arith.select %gt3A_479, %select_n3A_458, %select_n3A_487 : vector<16xi1>, vector<16xf32>
      %select_n3A_489 = arith.select %gt3A_480, %add3A_477, %select_n3A_464 : vector<16xi1>, vector<16xi32>
      %select_n3A_490 = arith.select %gt3A_479, %select_n3A_460, %select_n3A_489 : vector<16xi1>, vector<16xi32>
      %scan3A_491 = arith.constant 6 : i32
      %scan3A_492 = arith.addi %scan3A_332, %scan3A_491 : i32
      %mul3A_493 = arith.constant 16 : i32
      %mul3A_494 = arith.muli %scan3A_492, %mul3A_493 : i32
      %multiple_of3A_495 = tpu.assume_multiple %mul3A_494, 16 : i32
      %get3A_496 = arith.index_cast %multiple_of3A_495 : i32 to index
      %get3A_497 = tpu.vector_load %arg5[%get3A_496] {strides = array<i32>} : memref<3136xf32, #tpu.memory_space<vmem>>, vector<16xf32>,
      %get3A_498 = vector.shape_cast %get3A_497 : vector<16xf32> to vector<16xf32>
      %mul3A_499 = arith.constant 16 : i32
      %mul3A_500 = arith.muli %scan3A_492, %mul3A_499 : i32
      %add3A_501 = arith.addi %mul3A_2, %mul3A_500 : i32
      %add3A_502 = vector.broadcast %add3A_501 : i32 to vector<16xi32>
      %add3A_503 = arith.addi %add3A_502, %iota3A : vector<16xi32>
      %gt3A_504 = arith.cmpf ogt, %get3A_498, %select_n3A_481 : vector<16xf32>
      %gt3A_505 = arith.cmpf ogt, %get3A_498, %select_n3A_484 : vector<16xf32>
      %gt3A_506 = arith.cmpf ogt, %get3A_498, %select_n3A_488 : vector<16xf32>
      %select_n3A_507 = arith.select %gt3A_504, %get3A_498, %select_n3A_481 : vector<16xi1>, vector<16xf32>
      %select_n3A_508 = arith.select %gt3A_504, %add3A_503, %select_n3A_482 : vector<16xi1>, vector<16xi32>
      %select_n3A_509 = arith.select %gt3A_505, %get3A_498, %select_n3A_484 : vector<16xi1>, vector<16xf32>
      %select_n3A_510 = arith.select %gt3A_504, %select_n3A_481, %select_n3A_509 : vector<16xi1>, vector<16xf32>
      %select_n3A_511 = arith.select %gt3A_505, %add3A_503, %select_n3A_486 : vector<16xi1>, vector<16xi32>
      %select_n3A_512 = arith.select %gt3A_504, %select_n3A_482, %select_n3A_511 : vector<16xi1>, vector<16xi32>
      %select_n3A_513 = arith.select %gt3A_506, %get3A_498, %select_n3A_488 : vector<16xi1>, vector<16xf32>
      %select_n3A_514 = arith.select %gt3A_505, %select_n3A_484, %select_n3A_513 : vector<16xi1>, vector<16xf32>
      %select_n3A_515 = arith.select %gt3A_506, %add3A_503, %select_n3A_490 : vector<16xi1>, vector<16xi32>
      %select_n3A_516 = arith.select %gt3A_505, %select_n3A_486, %select_n3A_515 : vector<16xi1>, vector<16xi32>
      scf.yield %select_n3A_507, %select_n3A_510, %select_n3A_514, %select_n3A_508, %select_n3A_512, %select_n3A_516 : vector<16xf32>, vector<16xf32>, vector<16xf32>, vector<16xi32>, vector<16xi32>, vector<16xi32>
    }
    %scan3A_53 = arith.constant 98 : i32
    %iota3A_54 = tpu.iota {dimensions = array<i32: 0>} : vector<16xi32>
    %broadcast_in_dim3A_55 = arith.constant 0xFF800000 : f32
    %broadcast_in_dim3A_56 = vector.broadcast %broadcast_in_dim3A_55 : f32 to vector<16xf32>
    %broadcast_in_dim3A_57 = arith.constant 2147483647 : i32
    %broadcast_in_dim3A_58 = vector.broadcast %broadcast_in_dim3A_57 : i32 to vector<16xi32>
    %iota3A_59 = tpu.iota {dimensions = array<i32: 0>} : vector<16xi32>
    %xor3A = arith.constant 8 : i32
    %xor3A_60 = vector.broadcast %xor3A : i32 to vector<16xi32>
    %xor3A_61 = arith.xori %iota3A_59, %xor3A_60 : vector<16xi32>
    %broadcast_in_dim3A_62 = vector.shape_cast %xor3A_61 : vector<16xi32> to vector<16x1xi32>
    %gather3A = vector.shape_cast %broadcast_in_dim3A_62 : vector<16x1xi32> to vector<16xi32>
    %gather3A_63 = tpu.dynamic_gather %scan3A_52#0[%gather3A] in [0] : vector<16xf32>, vector<16xi32> -> vector<16xf32>
    %broadcast_in_dim3A_64 = vector.shape_cast %xor3A_61 : vector<16xi32> to vector<16x1xi32>
    %gather3A_65 = vector.shape_cast %broadcast_in_dim3A_64 : vector<16x1xi32> to vector<16xi32>
    %gather3A_66 = tpu.dynamic_gather %scan3A_52#3[%gather3A_65] in [0] : vector<16xi32>, vector<16xi32> -> vector<16xi32>
    %gt3A = arith.cmpf ogt, %gather3A_63, %scan3A_52#0 : vector<16xf32>
    %eq3A = arith.cmpf oeq, %gather3A_63, %scan3A_52#0 : vector<16xf32>
    %lt3A_67 = arith.cmpi slt, %gather3A_66, %scan3A_52#3 : vector<16xi32>
    %and3A = arith.andi %eq3A, %lt3A_67 : vector<16xi1>
    %or3A = arith.ori %gt3A, %and3A : vector<16xi1>
    %select_n3A = arith.select %or3A, %gather3A_63, %scan3A_52#0 : vector<16xi1>, vector<16xf32>
    %select_n3A_68 = arith.select %or3A, %gather3A_66, %scan3A_52#3 : vector<16xi1>, vector<16xi32>
    %xor3A_69 = arith.constant 4 : i32
    %xor3A_70 = vector.broadcast %xor3A_69 : i32 to vector<16xi32>
    %xor3A_71 = arith.xori %iota3A_59, %xor3A_70 : vector<16xi32>
    %broadcast_in_dim3A_72 = vector.shape_cast %xor3A_71 : vector<16xi32> to vector<16x1xi32>
    %gather3A_73 = vector.shape_cast %broadcast_in_dim3A_72 : vector<16x1xi32> to vector<16xi32>
    %gather3A_74 = tpu.dynamic_gather %select_n3A[%gather3A_73] in [0] : vector<16xf32>, vector<16xi32> -> vector<16xf32>
    %broadcast_in_dim3A_75 = vector.shape_cast %xor3A_71 : vector<16xi32> to vector<16x1xi32>
    %gather3A_76 = vector.shape_cast %broadcast_in_dim3A_75 : vector<16x1xi32> to vector<16xi32>
    %gather3A_77 = tpu.dynamic_gather %select_n3A_68[%gather3A_76] in [0] : vector<16xi32>, vector<16xi32> -> vector<16xi32>
    %gt3A_78 = arith.cmpf ogt, %gather3A_74, %select_n3A : vector<16xf32>
    %eq3A_79 = arith.cmpf oeq, %gather3A_74, %select_n3A : vector<16xf32>
    %lt3A_80 = arith.cmpi slt, %gather3A_77, %select_n3A_68 : vector<16xi32>
    %and3A_81 = arith.andi %eq3A_79, %lt3A_80 : vector<16xi1>
    %or3A_82 = arith.ori %gt3A_78, %and3A_81 : vector<16xi1>
    %select_n3A_83 = arith.select %or3A_82, %gather3A_74, %select_n3A : vector<16xi1>, vector<16xf32>
    %select_n3A_84 = arith.select %or3A_82, %gather3A_77, %select_n3A_68 : vector<16xi1>, vector<16xi32>
    %xor3A_85 = arith.constant 2 : i32
    %xor3A_86 = vector.broadcast %xor3A_85 : i32 to vector<16xi32>
    %xor3A_87 = arith.xori %iota3A_59, %xor3A_86 : vector<16xi32>
    %broadcast_in_dim3A_88 = vector.shape_cast %xor3A_87 : vector<16xi32> to vector<16x1xi32>
    %gather3A_89 = vector.shape_cast %broadcast_in_dim3A_88 : vector<16x1xi32> to vector<16xi32>
    %gather3A_90 = tpu.dynamic_gather %select_n3A_83[%gather3A_89] in [0] : vector<16xf32>, vector<16xi32> -> vector<16xf32>
    %broadcast_in_dim3A_91 = vector.shape_cast %xor3A_87 : vector<16xi32> to vector<16x1xi32>
    %gather3A_92 = vector.shape_cast %broadcast_in_dim3A_91 : vector<16x1xi32> to vector<16xi32>
    %gather3A_93 = tpu.dynamic_gather %select_n3A_84[%gather3A_92] in [0] : vector<16xi32>, vector<16xi32> -> vector<16xi32>
    %gt3A_94 = arith.cmpf ogt, %gather3A_90, %select_n3A_83 : vector<16xf32>
    %eq3A_95 = arith.cmpf oeq, %gather3A_90, %select_n3A_83 : vector<16xf32>
    %lt3A_96 = arith.cmpi slt, %gather3A_93, %select_n3A_84 : vector<16xi32>
    %and3A_97 = arith.andi %eq3A_95, %lt3A_96 : vector<16xi1>
    %or3A_98 = arith.ori %gt3A_94, %and3A_97 : vector<16xi1>
    %select_n3A_99 = arith.select %or3A_98, %gather3A_90, %select_n3A_83 : vector<16xi1>, vector<16xf32>
    %select_n3A_100 = arith.select %or3A_98, %gather3A_93, %select_n3A_84 : vector<16xi1>, vector<16xi32>
    %xor3A_101 = arith.constant 1 : i32
    %xor3A_102 = vector.broadcast %xor3A_101 : i32 to vector<16xi32>
    %xor3A_103 = arith.xori %iota3A_59, %xor3A_102 : vector<16xi32>
    %broadcast_in_dim3A_104 = vector.shape_cast %xor3A_103 : vector<16xi32> to vector<16x1xi32>
    %gather3A_105 = vector.shape_cast %broadcast_in_dim3A_104 : vector<16x1xi32> to vector<16xi32>
    %gather3A_106 = tpu.dynamic_gather %select_n3A_99[%gather3A_105] in [0] : vector<16xf32>, vector<16xi32> -> vector<16xf32>
    %broadcast_in_dim3A_107 = vector.shape_cast %xor3A_103 : vector<16xi32> to vector<16x1xi32>
    %gather3A_108 = vector.shape_cast %broadcast_in_dim3A_107 : vector<16x1xi32> to vector<16xi32>
    %gather3A_109 = tpu.dynamic_gather %select_n3A_100[%gather3A_108] in [0] : vector<16xi32>, vector<16xi32> -> vector<16xi32>
    %gt3A_110 = arith.cmpf ogt, %gather3A_106, %select_n3A_99 : vector<16xf32>
    %eq3A_111 = arith.cmpf oeq, %gather3A_106, %select_n3A_99 : vector<16xf32>
    %lt3A_112 = arith.cmpi slt, %gather3A_109, %select_n3A_100 : vector<16xi32>
    %and3A_113 = arith.andi %eq3A_111, %lt3A_112 : vector<16xi1>
    %or3A_114 = arith.ori %gt3A_110, %and3A_113 : vector<16xi1>
    %select_n3A_115 = arith.select %or3A_114, %gather3A_106, %select_n3A_99 : vector<16xi1>, vector<16xf32>
    %select_n3A_116 = arith.select %or3A_114, %gather3A_109, %select_n3A_100 : vector<16xi1>, vector<16xi32>
    %eq3A_117 = arith.cmpf oeq, %scan3A_52#0, %select_n3A_115 : vector<16xf32>
    %eq3A_118 = arith.cmpi eq, %scan3A_52#3, %select_n3A_116 : vector<16xi32>
    %and3A_119 = arith.andi %eq3A_117, %eq3A_118 : vector<16xi1>
    %eq3A_120 = arith.constant 0 : i32
    %eq3A_121 = vector.broadcast %eq3A_120 : i32 to vector<16xi32>
    %eq3A_122 = arith.cmpi eq, %iota3A_54, %eq3A_121 : vector<16xi32>
    %select_n3A_123 = arith.select %eq3A_122, %select_n3A_115, %broadcast_in_dim3A_56 : vector<16xi1>, vector<16xf32>
    %select_n3A_124 = arith.select %eq3A_122, %select_n3A_116, %broadcast_in_dim3A_58 : vector<16xi1>, vector<16xi32>
    %select_n3A_125 = arith.select %and3A_119, %scan3A_52#1, %scan3A_52#0 : vector<16xi1>, vector<16xf32>
    %select_n3A_126 = arith.select %and3A_119, %scan3A_52#4, %scan3A_52#3 : vector<16xi1>, vector<16xi32>
    %select_n3A_127 = arith.select %and3A_119, %scan3A_52#2, %scan3A_52#1 : vector<16xi1>, vector<16xf32>
    %select_n3A_128 = arith.select %and3A_119, %scan3A_52#5, %scan3A_52#4 : vector<16xi1>, vector<16xi32>
    %broadcast_in_dim3A_129 = arith.constant 0xFF800000 : f32
    %broadcast_in_dim3A_130 = vector.broadcast %broadcast_in_dim3A_129 : f32 to vector<16xf32>
    %select_n3A_131 = arith.select %and3A_119, %broadcast_in_dim3A_130, %scan3A_52#2 : vector<16xi1>, vector<16xf32>
    %broadcast_in_dim3A_132 = arith.constant 2147483647 : i32
    %broadcast_in_dim3A_133 = vector.broadcast %broadcast_in_dim3A_132 : i32 to vector<16xi32>
    %select_n3A_134 = arith.select %and3A_119, %broadcast_in_dim3A_133, %scan3A_52#5 : vector<16xi1>, vector<16xi32>
    %iota3A_135 = tpu.iota {dimensions = array<i32: 0>} : vector<16xi32>
    %xor3A_136 = arith.constant 8 : i32
    %xor3A_137 = vector.broadcast %xor3A_136 : i32 to vector<16xi32>
    %xor3A_138 = arith.xori %iota3A_135, %xor3A_137 : vector<16xi32>
    %broadcast_in_dim3A_139 = vector.shape_cast %xor3A_138 : vector<16xi32> to vector<16x1xi32>
    %gather3A_140 = vector.shape_cast %broadcast_in_dim3A_139 : vector<16x1xi32> to vector<16xi32>
    %gather3A_141 = tpu.dynamic_gather %select_n3A_125[%gather3A_140] in [0] : vector<16xf32>, vector<16xi32> -> vector<16xf32>
    %broadcast_in_dim3A_142 = vector.shape_cast %xor3A_138 : vector<16xi32> to vector<16x1xi32>
    %gather3A_143 = vector.shape_cast %broadcast_in_dim3A_142 : vector<16x1xi32> to vector<16xi32>
    %gather3A_144 = tpu.dynamic_gather %select_n3A_126[%gather3A_143] in [0] : vector<16xi32>, vector<16xi32> -> vector<16xi32>
    %gt3A_145 = arith.cmpf ogt, %gather3A_141, %select_n3A_125 : vector<16xf32>
    %eq3A_146 = arith.cmpf oeq, %gather3A_141, %select_n3A_125 : vector<16xf32>
    %lt3A_147 = arith.cmpi slt, %gather3A_144, %select_n3A_126 : vector<16xi32>
    %and3A_148 = arith.andi %eq3A_146, %lt3A_147 : vector<16xi1>
    %or3A_149 = arith.ori %gt3A_145, %and3A_148 : vector<16xi1>
    %select_n3A_150 = arith.select %or3A_149, %gather3A_141, %select_n3A_125 : vector<16xi1>, vector<16xf32>
    %select_n3A_151 = arith.select %or3A_149, %gather3A_144, %select_n3A_126 : vector<16xi1>, vector<16xi32>
    %xor3A_152 = arith.constant 4 : i32
    %xor3A_153 = vector.broadcast %xor3A_152 : i32 to vector<16xi32>
    %xor3A_154 = arith.xori %iota3A_135, %xor3A_153 : vector<16xi32>
    %broadcast_in_dim3A_155 = vector.shape_cast %xor3A_154 : vector<16xi32> to vector<16x1xi32>
    %gather3A_156 = vector.shape_cast %broadcast_in_dim3A_155 : vector<16x1xi32> to vector<16xi32>
    %gather3A_157 = tpu.dynamic_gather %select_n3A_150[%gather3A_156] in [0] : vector<16xf32>, vector<16xi32> -> vector<16xf32>
    %broadcast_in_dim3A_158 = vector.shape_cast %xor3A_154 : vector<16xi32> to vector<16x1xi32>
    %gather3A_159 = vector.shape_cast %broadcast_in_dim3A_158 : vector<16x1xi32> to vector<16xi32>
    %gather3A_160 = tpu.dynamic_gather %select_n3A_151[%gather3A_159] in [0] : vector<16xi32>, vector<16xi32> -> vector<16xi32>
    %gt3A_161 = arith.cmpf ogt, %gather3A_157, %select_n3A_150 : vector<16xf32>
    %eq3A_162 = arith.cmpf oeq, %gather3A_157, %select_n3A_150 : vector<16xf32>
    %lt3A_163 = arith.cmpi slt, %gather3A_160, %select_n3A_151 : vector<16xi32>
    %and3A_164 = arith.andi %eq3A_162, %lt3A_163 : vector<16xi1>
    %or3A_165 = arith.ori %gt3A_161, %and3A_164 : vector<16xi1>
    %select_n3A_166 = arith.select %or3A_165, %gather3A_157, %select_n3A_150 : vector<16xi1>, vector<16xf32>
    %select_n3A_167 = arith.select %or3A_165, %gather3A_160, %select_n3A_151 : vector<16xi1>, vector<16xi32>
    %xor3A_168 = arith.constant 2 : i32
    %xor3A_169 = vector.broadcast %xor3A_168 : i32 to vector<16xi32>
    %xor3A_170 = arith.xori %iota3A_135, %xor3A_169 : vector<16xi32>
    %broadcast_in_dim3A_171 = vector.shape_cast %xor3A_170 : vector<16xi32> to vector<16x1xi32>
    %gather3A_172 = vector.shape_cast %broadcast_in_dim3A_171 : vector<16x1xi32> to vector<16xi32>
    %gather3A_173 = tpu.dynamic_gather %select_n3A_166[%gather3A_172] in [0] : vector<16xf32>, vector<16xi32> -> vector<16xf32>
    %broadcast_in_dim3A_174 = vector.shape_cast %xor3A_170 : vector<16xi32> to vector<16x1xi32>
    %gather3A_175 = vector.shape_cast %broadcast_in_dim3A_174 : vector<16x1xi32> to vector<16xi32>
    %gather3A_176 = tpu.dynamic_gather %select_n3A_167[%gather3A_175] in [0] : vector<16xi32>, vector<16xi32> -> vector<16xi32>
    %gt3A_177 = arith.cmpf ogt, %gather3A_173, %select_n3A_166 : vector<16xf32>
    %eq3A_178 = arith.cmpf oeq, %gather3A_173, %select_n3A_166 : vector<16xf32>
    %lt3A_179 = arith.cmpi slt, %gather3A_176, %select_n3A_167 : vector<16xi32>
    %and3A_180 = arith.andi %eq3A_178, %lt3A_179 : vector<16xi1>
    %or3A_181 = arith.ori %gt3A_177, %and3A_180 : vector<16xi1>
    %select_n3A_182 = arith.select %or3A_181, %gather3A_173, %select_n3A_166 : vector<16xi1>, vector<16xf32>
    %select_n3A_183 = arith.select %or3A_181, %gather3A_176, %select_n3A_167 : vector<16xi1>, vector<16xi32>
    %xor3A_184 = arith.constant 1 : i32
    %xor3A_185 = vector.broadcast %xor3A_184 : i32 to vector<16xi32>
    %xor3A_186 = arith.xori %iota3A_135, %xor3A_185 : vector<16xi32>
    %broadcast_in_dim3A_187 = vector.shape_cast %xor3A_186 : vector<16xi32> to vector<16x1xi32>
    %gather3A_188 = vector.shape_cast %broadcast_in_dim3A_187 : vector<16x1xi32> to vector<16xi32>
    %gather3A_189 = tpu.dynamic_gather %select_n3A_182[%gather3A_188] in [0] : vector<16xf32>, vector<16xi32> -> vector<16xf32>
    %broadcast_in_dim3A_190 = vector.shape_cast %xor3A_186 : vector<16xi32> to vector<16x1xi32>
    %gather3A_191 = vector.shape_cast %broadcast_in_dim3A_190 : vector<16x1xi32> to vector<16xi32>
    %gather3A_192 = tpu.dynamic_gather %select_n3A_183[%gather3A_191] in [0] : vector<16xi32>, vector<16xi32> -> vector<16xi32>
    %gt3A_193 = arith.cmpf ogt, %gather3A_189, %select_n3A_182 : vector<16xf32>
    %eq3A_194 = arith.cmpf oeq, %gather3A_189, %select_n3A_182 : vector<16xf32>
    %lt3A_195 = arith.cmpi slt, %gather3A_192, %select_n3A_183 : vector<16xi32>
    %and3A_196 = arith.andi %eq3A_194, %lt3A_195 : vector<16xi1>
    %or3A_197 = arith.ori %gt3A_193, %and3A_196 : vector<16xi1>
    %select_n3A_198 = arith.select %or3A_197, %gather3A_189, %select_n3A_182 : vector<16xi1>, vector<16xf32>
    %select_n3A_199 = arith.select %or3A_197, %gather3A_192, %select_n3A_183 : vector<16xi1>, vector<16xi32>
    %eq3A_200 = arith.cmpf oeq, %select_n3A_125, %select_n3A_198 : vector<16xf32>
    %eq3A_201 = arith.cmpi eq, %select_n3A_126, %select_n3A_199 : vector<16xi32>
    %and3A_202 = arith.andi %eq3A_200, %eq3A_201 : vector<16xi1>
    %eq3A_203 = arith.constant 1 : i32
    %eq3A_204 = vector.broadcast %eq3A_203 : i32 to vector<16xi32>
    %eq3A_205 = arith.cmpi eq, %iota3A_54, %eq3A_204 : vector<16xi32>
    %select_n3A_206 = arith.select %eq3A_205, %select_n3A_198, %select_n3A_123 : vector<16xi1>, vector<16xf32>
    %select_n3A_207 = arith.select %eq3A_205, %select_n3A_199, %select_n3A_124 : vector<16xi1>, vector<16xi32>
    %select_n3A_208 = arith.select %and3A_202, %select_n3A_127, %select_n3A_125 : vector<16xi1>, vector<16xf32>
    %select_n3A_209 = arith.select %and3A_202, %select_n3A_128, %select_n3A_126 : vector<16xi1>, vector<16xi32>
    %select_n3A_210 = arith.select %and3A_202, %select_n3A_131, %select_n3A_127 : vector<16xi1>, vector<16xf32>
    %select_n3A_211 = arith.select %and3A_202, %select_n3A_134, %select_n3A_128 : vector<16xi1>, vector<16xi32>
    %broadcast_in_dim3A_212 = arith.constant 0xFF800000 : f32
    %broadcast_in_dim3A_213 = vector.broadcast %broadcast_in_dim3A_212 : f32 to vector<16xf32>
    %select_n3A_214 = arith.select %and3A_202, %broadcast_in_dim3A_213, %select_n3A_131 : vector<16xi1>, vector<16xf32>
    %broadcast_in_dim3A_215 = arith.constant 2147483647 : i32
    %broadcast_in_dim3A_216 = vector.broadcast %broadcast_in_dim3A_215 : i32 to vector<16xi32>
    %select_n3A_217 = arith.select %and3A_202, %broadcast_in_dim3A_216, %select_n3A_134 : vector<16xi1>, vector<16xi32>
    %iota3A_218 = tpu.iota {dimensions = array<i32: 0>} : vector<16xi32>
    %xor3A_219 = arith.constant 8 : i32
    %xor3A_220 = vector.broadcast %xor3A_219 : i32 to vector<16xi32>
    %xor3A_221 = arith.xori %iota3A_218, %xor3A_220 : vector<16xi32>
    %broadcast_in_dim3A_222 = vector.shape_cast %xor3A_221 : vector<16xi32> to vector<16x1xi32>
    %gather3A_223 = vector.shape_cast %broadcast_in_dim3A_222 : vector<16x1xi32> to vector<16xi32>
    %gather3A_224 = tpu.dynamic_gather %select_n3A_208[%gather3A_223] in [0] : vector<16xf32>, vector<16xi32> -> vector<16xf32>
    %broadcast_in_dim3A_225 = vector.shape_cast %xor3A_221 : vector<16xi32> to vector<16x1xi32>
    %gather3A_226 = vector.shape_cast %broadcast_in_dim3A_225 : vector<16x1xi32> to vector<16xi32>
    %gather3A_227 = tpu.dynamic_gather %select_n3A_209[%gather3A_226] in [0] : vector<16xi32>, vector<16xi32> -> vector<16xi32>
    %gt3A_228 = arith.cmpf ogt, %gather3A_224, %select_n3A_208 : vector<16xf32>
    %eq3A_229 = arith.cmpf oeq, %gather3A_224, %select_n3A_208 : vector<16xf32>
    %lt3A_230 = arith.cmpi slt, %gather3A_227, %select_n3A_209 : vector<16xi32>
    %and3A_231 = arith.andi %eq3A_229, %lt3A_230 : vector<16xi1>
    %or3A_232 = arith.ori %gt3A_228, %and3A_231 : vector<16xi1>
    %select_n3A_233 = arith.select %or3A_232, %gather3A_224, %select_n3A_208 : vector<16xi1>, vector<16xf32>
    %select_n3A_234 = arith.select %or3A_232, %gather3A_227, %select_n3A_209 : vector<16xi1>, vector<16xi32>
    %xor3A_235 = arith.constant 4 : i32
    %xor3A_236 = vector.broadcast %xor3A_235 : i32 to vector<16xi32>
    %xor3A_237 = arith.xori %iota3A_218, %xor3A_236 : vector<16xi32>
    %broadcast_in_dim3A_238 = vector.shape_cast %xor3A_237 : vector<16xi32> to vector<16x1xi32>
    %gather3A_239 = vector.shape_cast %broadcast_in_dim3A_238 : vector<16x1xi32> to vector<16xi32>
    %gather3A_240 = tpu.dynamic_gather %select_n3A_233[%gather3A_239] in [0] : vector<16xf32>, vector<16xi32> -> vector<16xf32>
    %broadcast_in_dim3A_241 = vector.shape_cast %xor3A_237 : vector<16xi32> to vector<16x1xi32>
    %gather3A_242 = vector.shape_cast %broadcast_in_dim3A_241 : vector<16x1xi32> to vector<16xi32>
    %gather3A_243 = tpu.dynamic_gather %select_n3A_234[%gather3A_242] in [0] : vector<16xi32>, vector<16xi32> -> vector<16xi32>
    %gt3A_244 = arith.cmpf ogt, %gather3A_240, %select_n3A_233 : vector<16xf32>
    %eq3A_245 = arith.cmpf oeq, %gather3A_240, %select_n3A_233 : vector<16xf32>
    %lt3A_246 = arith.cmpi slt, %gather3A_243, %select_n3A_234 : vector<16xi32>
    %and3A_247 = arith.andi %eq3A_245, %lt3A_246 : vector<16xi1>
    %or3A_248 = arith.ori %gt3A_244, %and3A_247 : vector<16xi1>
    %select_n3A_249 = arith.select %or3A_248, %gather3A_240, %select_n3A_233 : vector<16xi1>, vector<16xf32>
    %select_n3A_250 = arith.select %or3A_248, %gather3A_243, %select_n3A_234 : vector<16xi1>, vector<16xi32>
    %xor3A_251 = arith.constant 2 : i32
    %xor3A_252 = vector.broadcast %xor3A_251 : i32 to vector<16xi32>
    %xor3A_253 = arith.xori %iota3A_218, %xor3A_252 : vector<16xi32>
    %broadcast_in_dim3A_254 = vector.shape_cast %xor3A_253 : vector<16xi32> to vector<16x1xi32>
    %gather3A_255 = vector.shape_cast %broadcast_in_dim3A_254 : vector<16x1xi32> to vector<16xi32>
    %gather3A_256 = tpu.dynamic_gather %select_n3A_249[%gather3A_255] in [0] : vector<16xf32>, vector<16xi32> -> vector<16xf32>
    %broadcast_in_dim3A_257 = vector.shape_cast %xor3A_253 : vector<16xi32> to vector<16x1xi32>
    %gather3A_258 = vector.shape_cast %broadcast_in_dim3A_257 : vector<16x1xi32> to vector<16xi32>
    %gather3A_259 = tpu.dynamic_gather %select_n3A_250[%gather3A_258] in [0] : vector<16xi32>, vector<16xi32> -> vector<16xi32>
    %gt3A_260 = arith.cmpf ogt, %gather3A_256, %select_n3A_249 : vector<16xf32>
    %eq3A_261 = arith.cmpf oeq, %gather3A_256, %select_n3A_249 : vector<16xf32>
    %lt3A_262 = arith.cmpi slt, %gather3A_259, %select_n3A_250 : vector<16xi32>
    %and3A_263 = arith.andi %eq3A_261, %lt3A_262 : vector<16xi1>
    %or3A_264 = arith.ori %gt3A_260, %and3A_263 : vector<16xi1>
    %select_n3A_265 = arith.select %or3A_264, %gather3A_256, %select_n3A_249 : vector<16xi1>, vector<16xf32>
    %select_n3A_266 = arith.select %or3A_264, %gather3A_259, %select_n3A_250 : vector<16xi1>, vector<16xi32>
    %xor3A_267 = arith.constant 1 : i32
    %xor3A_268 = vector.broadcast %xor3A_267 : i32 to vector<16xi32>
    %xor3A_269 = arith.xori %iota3A_218, %xor3A_268 : vector<16xi32>
    %broadcast_in_dim3A_270 = vector.shape_cast %xor3A_269 : vector<16xi32> to vector<16x1xi32>
    %gather3A_271 = vector.shape_cast %broadcast_in_dim3A_270 : vector<16x1xi32> to vector<16xi32>
    %gather3A_272 = tpu.dynamic_gather %select_n3A_265[%gather3A_271] in [0] : vector<16xf32>, vector<16xi32> -> vector<16xf32>
    %broadcast_in_dim3A_273 = vector.shape_cast %xor3A_269 : vector<16xi32> to vector<16x1xi32>
    %gather3A_274 = vector.shape_cast %broadcast_in_dim3A_273 : vector<16x1xi32> to vector<16xi32>
    %gather3A_275 = tpu.dynamic_gather %select_n3A_266[%gather3A_274] in [0] : vector<16xi32>, vector<16xi32> -> vector<16xi32>
    %gt3A_276 = arith.cmpf ogt, %gather3A_272, %select_n3A_265 : vector<16xf32>
    %eq3A_277 = arith.cmpf oeq, %gather3A_272, %select_n3A_265 : vector<16xf32>
    %lt3A_278 = arith.cmpi slt, %gather3A_275, %select_n3A_266 : vector<16xi32>
    %and3A_279 = arith.andi %eq3A_277, %lt3A_278 : vector<16xi1>
    %or3A_280 = arith.ori %gt3A_276, %and3A_279 : vector<16xi1>
    %select_n3A_281 = arith.select %or3A_280, %gather3A_272, %select_n3A_265 : vector<16xi1>, vector<16xf32>
    %select_n3A_282 = arith.select %or3A_280, %gather3A_275, %select_n3A_266 : vector<16xi1>, vector<16xi32>
    %eq3A_283 = arith.cmpf oeq, %select_n3A_208, %select_n3A_281 : vector<16xf32>
    %eq3A_284 = arith.cmpi eq, %select_n3A_209, %select_n3A_282 : vector<16xi32>
    %and3A_285 = arith.andi %eq3A_283, %eq3A_284 : vector<16xi1>
    %eq3A_286 = arith.constant 2 : i32
    %eq3A_287 = vector.broadcast %eq3A_286 : i32 to vector<16xi32>
    %eq3A_288 = arith.cmpi eq, %iota3A_54, %eq3A_287 : vector<16xi32>
    %select_n3A_289 = arith.select %eq3A_288, %select_n3A_281, %select_n3A_206 : vector<16xi1>, vector<16xf32>
    %select_n3A_290 = arith.select %eq3A_288, %select_n3A_282, %select_n3A_207 : vector<16xi1>, vector<16xi32>
    %select_n3A_291 = arith.select %and3A_285, %select_n3A_210, %select_n3A_208 : vector<16xi1>, vector<16xf32>
    %select_n3A_292 = arith.select %and3A_285, %select_n3A_211, %select_n3A_209 : vector<16xi1>, vector<16xi32>
    %select_n3A_293 = arith.select %and3A_285, %select_n3A_214, %select_n3A_210 : vector<16xi1>, vector<16xf32>
    %select_n3A_294 = arith.select %and3A_285, %select_n3A_217, %select_n3A_211 : vector<16xi1>, vector<16xi32>
    %broadcast_in_dim3A_295 = arith.constant 0xFF800000 : f32
    %broadcast_in_dim3A_296 = vector.broadcast %broadcast_in_dim3A_295 : f32 to vector<16xf32>
    %select_n3A_297 = arith.select %and3A_285, %broadcast_in_dim3A_296, %select_n3A_214 : vector<16xi1>, vector<16xf32>
    %broadcast_in_dim3A_298 = arith.constant 2147483647 : i32
    %broadcast_in_dim3A_299 = vector.broadcast %broadcast_in_dim3A_298 : i32 to vector<16xi32>
    %select_n3A_300 = arith.select %and3A_285, %broadcast_in_dim3A_299, %select_n3A_217 : vector<16xi1>, vector<16xi32>
    %swap3A = arith.constant 0 : index
    %swap3A_301 = tpu.vector_load %arg6[%swap3A] {strides = array<i32>} : memref<16xf32, #tpu.memory_space<vmem>>, vector<16xf32>,
    %swap3A_302 = vector.shape_cast %swap3A_301 : vector<16xf32> to vector<16xf32>
    %swap3A_303 = vector.shape_cast %select_n3A_289 : vector<16xf32> to vector<16xf32>
    tpu.vector_store %arg6[%swap3A], %swap3A_303 {strides = array<i32>} : memref<16xf32, #tpu.memory_space<vmem>>, vector<16xf32>,
    %swap3A_304 = arith.constant 0 : index
    %swap3A_305 = tpu.vector_load %arg7[%swap3A_304] {strides = array<i32>} : memref<16xi32, #tpu.memory_space<vmem>>, vector<16xi32>,
    %swap3A_306 = vector.shape_cast %swap3A_305 : vector<16xi32> to vector<16xi32>
    %swap3A_307 = vector.shape_cast %select_n3A_290 : vector<16xi32> to vector<16xi32>
    tpu.vector_store %arg7[%swap3A_304], %swap3A_307 {strides = array<i32>} : memref<16xi32, #tpu.memory_space<vmem>>, vector<16xi32>,
    %dma_start3A_308 = arith.constant 0 : i32
    %dma_start3A_309 = tpu.memref_slice %arg3[%add3A, %dma_start3A_308] : memref<32x16xf32, #tpu.memory_space<hbm>> -> memref<1x16xf32, #tpu.memory_space<hbm>>
    %dma_start3A_310 = tpu.memref_squeeze %dma_start3A_309 : memref<1x16xf32, #tpu.memory_space<hbm>> -> memref<16xf32, #tpu.memory_space<hbm>>
    %dma_start3A_311 = arith.constant 0 : i32
    %dma_start3A_312 = tpu.memref_slice %arg3[%add3A, %dma_start3A_311] : memref<32x16xf32, #tpu.memory_space<hbm>> -> memref<1x16xf32, #tpu.memory_space<hbm>>
    %dma_start3A_313 = tpu.memref_squeeze %dma_start3A_312 : memref<1x16xf32, #tpu.memory_space<hbm>> -> memref<16xf32, #tpu.memory_space<hbm>>
    tpu.enqueue_dma source(%arg6 : memref<16xf32, #tpu.memory_space<vmem>>) target(%dma_start3A_313 : memref<16xf32, #tpu.memory_space<hbm>>) target_semaphore(%arg8 : memref<!tpu.dma_semaphore, #tpu.memory_space<semaphore_mem>>)
    %dma_start3A_314 = arith.constant 0 : i32
    %dma_start3A_315 = tpu.memref_slice %arg4[%add3A, %dma_start3A_314] : memref<32x16xi32, #tpu.memory_space<hbm>> -> memref<1x16xi32, #tpu.memory_space<hbm>>
    %dma_start3A_316 = tpu.memref_squeeze %dma_start3A_315 : memref<1x16xi32, #tpu.memory_space<hbm>> -> memref<16xi32, #tpu.memory_space<hbm>>
    %dma_start3A_317 = arith.constant 0 : i32
    %dma_start3A_318 = tpu.memref_slice %arg4[%add3A, %dma_start3A_317] : memref<32x16xi32, #tpu.memory_space<hbm>> -> memref<1x16xi32, #tpu.memory_space<hbm>>
    %dma_start3A_319 = tpu.memref_squeeze %dma_start3A_318 : memref<1x16xi32, #tpu.memory_space<hbm>> -> memref<16xi32, #tpu.memory_space<hbm>>
    tpu.enqueue_dma source(%arg7 : memref<16xi32, #tpu.memory_space<vmem>>) target(%dma_start3A_319 : memref<16xi32, #tpu.memory_space<hbm>>) target_semaphore(%arg9 : memref<!tpu.dma_semaphore, #tpu.memory_space<semaphore_mem>>)
    %dma_wait3A_320 = arith.constant 0 : i32
    %dma_wait3A_321 = tpu.memref_slice %arg3[%add3A, %dma_wait3A_320] : memref<32x16xf32, #tpu.memory_space<hbm>> -> memref<1x16xf32, #tpu.memory_space<hbm>>
    %dma_wait3A_322 = tpu.memref_squeeze %dma_wait3A_321 : memref<1x16xf32, #tpu.memory_space<hbm>> -> memref<16xf32, #tpu.memory_space<hbm>>
    %dma_wait3A_323 = arith.constant 0 : i32
    %dma_wait3A_324 = tpu.memref_slice %arg3[%add3A, %dma_wait3A_323] : memref<32x16xf32, #tpu.memory_space<hbm>> -> memref<1x16xf32, #tpu.memory_space<hbm>>
    %dma_wait3A_325 = tpu.memref_squeeze %dma_wait3A_324 : memref<1x16xf32, #tpu.memory_space<hbm>> -> memref<16xf32, #tpu.memory_space<hbm>>
    tpu.wait_dma2 semaphore(%arg8 : memref<!tpu.dma_semaphore, #tpu.memory_space<semaphore_mem>>) src(%arg6 : memref<16xf32, #tpu.memory_space<vmem>>) dst(%dma_wait3A_325 : memref<16xf32, #tpu.memory_space<hbm>>)
    %dma_wait3A_326 = arith.constant 0 : i32
    %dma_wait3A_327 = tpu.memref_slice %arg4[%add3A, %dma_wait3A_326] : memref<32x16xi32, #tpu.memory_space<hbm>> -> memref<1x16xi32, #tpu.memory_space<hbm>>
    %dma_wait3A_328 = tpu.memref_squeeze %dma_wait3A_327 : memref<1x16xi32, #tpu.memory_space<hbm>> -> memref<16xi32, #tpu.memory_space<hbm>>
    %dma_wait3A_329 = arith.constant 0 : i32
    %dma_wait3A_330 = tpu.memref_slice %arg4[%add3A, %dma_wait3A_329] : memref<32x16xi32, #tpu.memory_space<hbm>> -> memref<1x16xi32, #tpu.memory_space<hbm>>
    %dma_wait3A_331 = tpu.memref_squeeze %dma_wait3A_330 : memref<1x16xi32, #tpu.memory_space<hbm>> -> memref<16xi32, #tpu.memory_space<hbm>>
    tpu.wait_dma2 semaphore(%arg9 : memref<!tpu.dma_semaphore, #tpu.memory_space<semaphore_mem>>) src(%arg7 : memref<16xi32, #tpu.memory_space<vmem>>) dst(%dma_wait3A_331 : memref<16xi32, #tpu.memory_space<hbm>>)
    return
  }
}

module attributes {stable_mosaic.version = 14 : i64} {
  func.func @body(%arg0: memref<32x16xf32, #tpu.memory_space<vmem>>, %arg1: memref<32x16xi32, #tpu.memory_space<vmem>>, %arg2: memref<100000x128xf32, #tpu.memory_space<any>>, %arg3: memref<1x128xf32, #tpu.memory_space<vmem>>, %arg4: memref<8x128xf32, #tpu.memory_space<vmem>>, %arg5: memref<!tpu.dma_semaphore, #tpu.memory_space<semaphore_mem>>) attributes {dimension_semantics = [], scalar_prefetch = 0 : i64, scratch_operands = 2 : i64, tpu.core_type = #tpu.core_type<tc>} {
    %get3A = arith.constant 0 : index
    %get3A_0 = arith.constant 0 : index
    %get3A_1 = vector.load %arg0[%get3A, %get3A_0] : memref<32x16xf32, #tpu.memory_space<vmem>>, vector<32x16xf32>
    %get3A_2 = arith.constant 0 : index
    %get3A_3 = arith.constant 0 : index
    %get3A_4 = vector.load %arg1[%get3A_2, %get3A_3] : memref<32x16xi32, #tpu.memory_space<vmem>>, vector<32x16xi32>
    %reduce_max3A = vector.shape_cast %get3A_1 : vector<32x16xf32> to vector<1x32x16xf32>
    %reduce_max3A_5 = arith.constant dense<0xFF800000> : vector<1xf32>
    %reduce_max3A_6 = vector.multi_reduction <maximumf>, %reduce_max3A, %reduce_max3A_5 [1, 2] : vector<1x32x16xf32> to vector<1xf32>
    %reduce_max3A_7 = vector.shape_cast %reduce_max3A_6 : vector<1xf32> to vector<1x1x1xf32>
    %reduce_max3A_8 = vector.extract %reduce_max3A_7[0, 0, 0] : f32 from vector<1x1x1xf32>
    %eq3A = vector.broadcast %reduce_max3A_8 : f32 to vector<32x16xf32>
    %eq3A_9 = arith.cmpf oeq, %get3A_1, %eq3A : vector<32x16xf32>
    %jit3A = arith.constant 2147483647 : i32
    %broadcast_in_dim3A = vector.broadcast %jit3A : i32 to vector<32x16xi32>
    %select_n3A = arith.select %eq3A_9, %get3A_4, %broadcast_in_dim3A : vector<32x16xi1>, vector<32x16xi32>
    %reduce_min3A = vector.shape_cast %select_n3A : vector<32x16xi32> to vector<1x32x16xi32>
    %reduce_min3A_10 = arith.constant dense<2147483647> : vector<1xi32>
    %reduce_min3A_11 = vector.multi_reduction <minsi>, %reduce_min3A, %reduce_min3A_10 [1, 2] : vector<1x32x16xi32> to vector<1xi32>
    %reduce_min3A_12 = vector.shape_cast %reduce_min3A_11 : vector<1xi32> to vector<1x1x1xi32>
    %reduce_min3A_13 = vector.extract %reduce_min3A_12[0, 0, 0] : i32 from vector<1x1x1xi32>
    %eq3A_14 = vector.broadcast %reduce_max3A_8 : f32 to vector<32x16xf32>
    %eq3A_15 = arith.cmpf oeq, %get3A_1, %eq3A_14 : vector<32x16xf32>
    %eq3A_16 = vector.broadcast %reduce_min3A_13 : i32 to vector<32x16xi32>
    %eq3A_17 = arith.cmpi eq, %get3A_4, %eq3A_16 : vector<32x16xi32>
    %and3A = arith.andi %eq3A_15, %eq3A_17 : vector<32x16xi1>
    %jit3A_18 = arith.constant 0xFF800000 : f32
    %broadcast_in_dim3A_19 = vector.broadcast %jit3A_18 : f32 to vector<32x16xf32>
    %select_n3A_20 = arith.select %and3A, %broadcast_in_dim3A_19, %get3A_1 : vector<32x16xi1>, vector<32x16xf32>
    %reduce_max3A_21 = vector.shape_cast %select_n3A_20 : vector<32x16xf32> to vector<1x32x16xf32>
    %reduce_max3A_22 = arith.constant dense<0xFF800000> : vector<1xf32>
    %reduce_max3A_23 = vector.multi_reduction <maximumf>, %reduce_max3A_21, %reduce_max3A_22 [1, 2] : vector<1x32x16xf32> to vector<1xf32>
    %reduce_max3A_24 = vector.shape_cast %reduce_max3A_23 : vector<1xf32> to vector<1x1x1xf32>
    %reduce_max3A_25 = vector.extract %reduce_max3A_24[0, 0, 0] : f32 from vector<1x1x1xf32>
    %eq3A_26 = vector.broadcast %reduce_max3A_25 : f32 to vector<32x16xf32>
    %eq3A_27 = arith.cmpf oeq, %select_n3A_20, %eq3A_26 : vector<32x16xf32>
    %jit3A_28 = arith.constant 2147483647 : i32
    %broadcast_in_dim3A_29 = vector.broadcast %jit3A_28 : i32 to vector<32x16xi32>
    %select_n3A_30 = arith.select %eq3A_27, %get3A_4, %broadcast_in_dim3A_29 : vector<32x16xi1>, vector<32x16xi32>
    %reduce_min3A_31 = vector.shape_cast %select_n3A_30 : vector<32x16xi32> to vector<1x32x16xi32>
    %reduce_min3A_32 = arith.constant dense<2147483647> : vector<1xi32>
    %reduce_min3A_33 = vector.multi_reduction <minsi>, %reduce_min3A_31, %reduce_min3A_32 [1, 2] : vector<1x32x16xi32> to vector<1xi32>
    %reduce_min3A_34 = vector.shape_cast %reduce_min3A_33 : vector<1xi32> to vector<1x1x1xi32>
    %reduce_min3A_35 = vector.extract %reduce_min3A_34[0, 0, 0] : i32 from vector<1x1x1xi32>
    %eq3A_36 = vector.broadcast %reduce_max3A_25 : f32 to vector<32x16xf32>
    %eq3A_37 = arith.cmpf oeq, %select_n3A_20, %eq3A_36 : vector<32x16xf32>
    %eq3A_38 = vector.broadcast %reduce_min3A_35 : i32 to vector<32x16xi32>
    %eq3A_39 = arith.cmpi eq, %get3A_4, %eq3A_38 : vector<32x16xi32>
    %and3A_40 = arith.andi %eq3A_37, %eq3A_39 : vector<32x16xi1>
    %jit3A_41 = arith.constant 0xFF800000 : f32
    %broadcast_in_dim3A_42 = vector.broadcast %jit3A_41 : f32 to vector<32x16xf32>
    %select_n3A_43 = arith.select %and3A_40, %broadcast_in_dim3A_42, %select_n3A_20 : vector<32x16xi1>, vector<32x16xf32>
    %reduce_max3A_44 = vector.shape_cast %select_n3A_43 : vector<32x16xf32> to vector<1x32x16xf32>
    %reduce_max3A_45 = arith.constant dense<0xFF800000> : vector<1xf32>
    %reduce_max3A_46 = vector.multi_reduction <maximumf>, %reduce_max3A_44, %reduce_max3A_45 [1, 2] : vector<1x32x16xf32> to vector<1xf32>
    %reduce_max3A_47 = vector.shape_cast %reduce_max3A_46 : vector<1xf32> to vector<1x1x1xf32>
    %reduce_max3A_48 = vector.extract %reduce_max3A_47[0, 0, 0] : f32 from vector<1x1x1xf32>
    %eq3A_49 = vector.broadcast %reduce_max3A_48 : f32 to vector<32x16xf32>
    %eq3A_50 = arith.cmpf oeq, %select_n3A_43, %eq3A_49 : vector<32x16xf32>
    %jit3A_51 = arith.constant 2147483647 : i32
    %broadcast_in_dim3A_52 = vector.broadcast %jit3A_51 : i32 to vector<32x16xi32>
    %select_n3A_53 = arith.select %eq3A_50, %get3A_4, %broadcast_in_dim3A_52 : vector<32x16xi1>, vector<32x16xi32>
    %reduce_min3A_54 = vector.shape_cast %select_n3A_53 : vector<32x16xi32> to vector<1x32x16xi32>
    %reduce_min3A_55 = arith.constant dense<2147483647> : vector<1xi32>
    %reduce_min3A_56 = vector.multi_reduction <minsi>, %reduce_min3A_54, %reduce_min3A_55 [1, 2] : vector<1x32x16xi32> to vector<1xi32>
    %reduce_min3A_57 = vector.shape_cast %reduce_min3A_56 : vector<1xi32> to vector<1x1x1xi32>
    %reduce_min3A_58 = vector.extract %reduce_min3A_57[0, 0, 0] : i32 from vector<1x1x1xi32>
    %dma_start3A = arith.constant 0 : i32
    %dma_start3A_59 = arith.constant 0 : i32
    %dma_start3A_60 = tpu.memref_slice %arg4[%dma_start3A, %dma_start3A_59] : memref<8x128xf32, #tpu.memory_space<vmem>> -> memref<1x128xf32, #tpu.memory_space<vmem>>
    %dma_start3A_61 = arith.constant 0 : i32
    %dma_start3A_62 = tpu.memref_slice %arg2[%reduce_min3A_13, %dma_start3A_61] : memref<100000x128xf32, #tpu.memory_space<any>> -> memref<1x128xf32, #tpu.memory_space<any>>
    tpu.enqueue_dma source(%dma_start3A_62 : memref<1x128xf32, #tpu.memory_space<any>>) target(%dma_start3A_60 : memref<1x128xf32, #tpu.memory_space<vmem>>) target_semaphore(%arg5 : memref<!tpu.dma_semaphore, #tpu.memory_space<semaphore_mem>>)
    %dma_start3A_63 = arith.constant 1 : i32
    %dma_start3A_64 = arith.constant 0 : i32
    %dma_start3A_65 = tpu.memref_slice %arg4[%dma_start3A_63, %dma_start3A_64] : memref<8x128xf32, #tpu.memory_space<vmem>> -> memref<1x128xf32, #tpu.memory_space<vmem>>
    %dma_start3A_66 = arith.constant 0 : i32
    %dma_start3A_67 = tpu.memref_slice %arg2[%reduce_min3A_35, %dma_start3A_66] : memref<100000x128xf32, #tpu.memory_space<any>> -> memref<1x128xf32, #tpu.memory_space<any>>
    tpu.enqueue_dma source(%dma_start3A_67 : memref<1x128xf32, #tpu.memory_space<any>>) target(%dma_start3A_65 : memref<1x128xf32, #tpu.memory_space<vmem>>) target_semaphore(%arg5 : memref<!tpu.dma_semaphore, #tpu.memory_space<semaphore_mem>>)
    %dma_start3A_68 = arith.constant 2 : i32
    %dma_start3A_69 = arith.constant 0 : i32
    %dma_start3A_70 = tpu.memref_slice %arg4[%dma_start3A_68, %dma_start3A_69] : memref<8x128xf32, #tpu.memory_space<vmem>> -> memref<1x128xf32, #tpu.memory_space<vmem>>
    %dma_start3A_71 = arith.constant 0 : i32
    %dma_start3A_72 = tpu.memref_slice %arg2[%reduce_min3A_58, %dma_start3A_71] : memref<100000x128xf32, #tpu.memory_space<any>> -> memref<1x128xf32, #tpu.memory_space<any>>
    tpu.enqueue_dma source(%dma_start3A_72 : memref<1x128xf32, #tpu.memory_space<any>>) target(%dma_start3A_70 : memref<1x128xf32, #tpu.memory_space<vmem>>) target_semaphore(%arg5 : memref<!tpu.dma_semaphore, #tpu.memory_space<semaphore_mem>>)
    %dma_wait3A = arith.constant 0 : i32
    %dma_wait3A_73 = arith.constant 0 : i32
    %dma_wait3A_74 = tpu.memref_slice %arg4[%dma_wait3A, %dma_wait3A_73] : memref<8x128xf32, #tpu.memory_space<vmem>> -> memref<1x128xf32, #tpu.memory_space<vmem>>
    %dma_wait3A_75 = arith.constant 0 : i32
    %dma_wait3A_76 = tpu.memref_slice %arg2[%reduce_min3A_13, %dma_wait3A_75] : memref<100000x128xf32, #tpu.memory_space<any>> -> memref<1x128xf32, #tpu.memory_space<any>>
    tpu.wait_dma2 semaphore(%arg5 : memref<!tpu.dma_semaphore, #tpu.memory_space<semaphore_mem>>) src(%dma_wait3A_76 : memref<1x128xf32, #tpu.memory_space<any>>) dst(%dma_wait3A_74 : memref<1x128xf32, #tpu.memory_space<vmem>>)
    %dma_wait3A_77 = arith.constant 1 : i32
    %dma_wait3A_78 = arith.constant 0 : i32
    %dma_wait3A_79 = tpu.memref_slice %arg4[%dma_wait3A_77, %dma_wait3A_78] : memref<8x128xf32, #tpu.memory_space<vmem>> -> memref<1x128xf32, #tpu.memory_space<vmem>>
    %dma_wait3A_80 = arith.constant 0 : i32
    %dma_wait3A_81 = tpu.memref_slice %arg2[%reduce_min3A_35, %dma_wait3A_80] : memref<100000x128xf32, #tpu.memory_space<any>> -> memref<1x128xf32, #tpu.memory_space<any>>
    tpu.wait_dma2 semaphore(%arg5 : memref<!tpu.dma_semaphore, #tpu.memory_space<semaphore_mem>>) src(%dma_wait3A_81 : memref<1x128xf32, #tpu.memory_space<any>>) dst(%dma_wait3A_79 : memref<1x128xf32, #tpu.memory_space<vmem>>)
    %dma_wait3A_82 = arith.constant 2 : i32
    %dma_wait3A_83 = arith.constant 0 : i32
    %dma_wait3A_84 = tpu.memref_slice %arg4[%dma_wait3A_82, %dma_wait3A_83] : memref<8x128xf32, #tpu.memory_space<vmem>> -> memref<1x128xf32, #tpu.memory_space<vmem>>
    %dma_wait3A_85 = arith.constant 0 : i32
    %dma_wait3A_86 = tpu.memref_slice %arg2[%reduce_min3A_58, %dma_wait3A_85] : memref<100000x128xf32, #tpu.memory_space<any>> -> memref<1x128xf32, #tpu.memory_space<any>>
    tpu.wait_dma2 semaphore(%arg5 : memref<!tpu.dma_semaphore, #tpu.memory_space<semaphore_mem>>) src(%dma_wait3A_86 : memref<1x128xf32, #tpu.memory_space<any>>) dst(%dma_wait3A_84 : memref<1x128xf32, #tpu.memory_space<vmem>>)
    %sub3A = arith.subf %reduce_max3A_25, %reduce_max3A_8 : f32
    %mul3A = arith.constant 1.000000e+02 : f32
    %mul3A_87 = arith.mulf %sub3A, %mul3A : f32
    %max3A = arith.constant -1.000000e+02 : f32
    %max3A_88 = arith.maximumf %mul3A_87, %max3A : f32
    %broadcast_in_dim3A_89 = vector.broadcast %max3A_88 : f32 to vector<1x128xf32>
    %exp3A = math.exp %broadcast_in_dim3A_89 : vector<1x128xf32>
    %sub3A_90 = arith.subf %reduce_max3A_48, %reduce_max3A_8 : f32
    %mul3A_91 = arith.constant 1.000000e+02 : f32
    %mul3A_92 = arith.mulf %sub3A_90, %mul3A_91 : f32
    %max3A_93 = arith.constant -1.000000e+02 : f32
    %max3A_94 = arith.maximumf %mul3A_92, %max3A_93 : f32
    %broadcast_in_dim3A_95 = vector.broadcast %max3A_94 : f32 to vector<1x128xf32>
    %exp3A_96 = math.exp %broadcast_in_dim3A_95 : vector<1x128xf32>
    %get3A_97 = arith.constant 0 : index
    %get3A_98 = arith.constant 0 : index
    %get3A_99 = vector.load %arg4[%get3A_97, %get3A_98] : memref<8x128xf32, #tpu.memory_space<vmem>>, vector<1x128xf32>
    %get3A_100 = arith.constant 1 : index
    %get3A_101 = arith.constant 0 : index
    %get3A_102 = vector.load %arg4[%get3A_100, %get3A_101] : memref<8x128xf32, #tpu.memory_space<vmem>>, vector<1x128xf32>
    %mul3A_103 = arith.mulf %exp3A, %get3A_102 : vector<1x128xf32>
    %add3A = arith.addf %get3A_99, %mul3A_103 : vector<1x128xf32>
    %get3A_104 = arith.constant 2 : index
    %get3A_105 = arith.constant 0 : index
    %get3A_106 = vector.load %arg4[%get3A_104, %get3A_105] : memref<8x128xf32, #tpu.memory_space<vmem>>, vector<1x128xf32>
    %mul3A_107 = arith.mulf %exp3A_96, %get3A_106 : vector<1x128xf32>
    %add3A_108 = arith.addf %add3A, %mul3A_107 : vector<1x128xf32>
    %add3A_109 = arith.constant 1.000000e+00 : f32
    %add3A_110 = vector.broadcast %add3A_109 : f32 to vector<1x128xf32>
    %add3A_111 = arith.addf %add3A_110, %exp3A : vector<1x128xf32>
    %add3A_112 = arith.addf %add3A_111, %exp3A_96 : vector<1x128xf32>
    %div3A = arith.divf %add3A_108, %add3A_112 : vector<1x128xf32>
    %swap3A = arith.constant 0 : index
    %swap3A_113 = arith.constant 0 : index
    %swap3A_114 = vector.load %arg3[%swap3A, %swap3A_113] : memref<1x128xf32, #tpu.memory_space<vmem>>, vector<1x128xf32>
    tpu.vector_store %arg3[%swap3A, %swap3A_113], %div3A {strides = array<i32>} : memref<1x128xf32, #tpu.memory_space<vmem>>, vector<1x128xf32>,
    return
  }
}

</mosaic_0001>

<sc_bundles>
// kernel: kernel.4.cloned.1.call-start
scs
__scs_entry_jumppad:
0x0: {  	(pc) =	sbr.rel $0x88, $3  }
0x1: {  	(tag) =	ssettag $0x0;
	lr =	simm.s32 $0x1  }
0x2: {  	[smem:$0x3F9F] =	sst lr;
	_ =	strace $0xD0000000  }
0x3: {  	_ = 	snop  }
0x4: {  	_ = 	snop  }
0x5: {  	_ = 	snop  }
0x6: {  	_ = 	snop  }
0x7: {  	_ = 	snop  }
__scs_overlays_trampoline_lowered:
0x8: {  	[smem:$0x3FAE] =	sst s0  }
0x9: {  	[smem:$0x3FAF] =	sst s1  }
0xa: {  	[smem:$0x3FB0] =	sst s2  }
0xb: {  	[smem:$0x3FB1] =	sst s3  }
0xc: {  	[smem:$0x3FB2] =	sst s4  }
0xd: {  	[smem:$0x3FB3] =	sst s5  }
0xe: {  	[smem:$0x3FB4] =	sst s6  }
0xf: {  	[smem:$0x3FB5] =	sst s7  }
0x10: {  	[smem:$0x3FB6] =	sst s8  }
0x11: {  	[smem:$0x3FB7] =	sst s9;
	s0 =	simm.s32 @!p0 $0x0  }
0x12: {  	s1 =	sld [smem:$0x3F9D];
	s0 =	simm.s32 @p0 $0x1  }
0x13: {  	[smem:$0x3FB8] =	sst s0;
	s0 =	simm.s32 @!p1 $0x0  }
0x14: {  	s2 =	sld [smem:$0x3F9C];
	s0 =	simm.s32 @p1 $0x1  }
0x15: {  	[smem:$0x3FB9] =	sst s0;
	s0 =	simm.s32 @!p2 $0x0  }
0x16: {  	s3 =	sld [smem:$0x3FDB];
	s0 =	simm.s32 @p2 $0x1  }
0x17: {  	s4 =	simm.s32 $0x1BF5;
	[smem:$0x3FBB] =	sst s0  }
0x18: {  	s0 =	sld [smem:$0x3F9E];
	_ =	swait.ge [sflag:s4], $0x0  }
0x19: {  	s7 =	sld [smem:$0x3F9F]  }
0x1a: {  	s8 =	sadd.s32 $0xFFFFE003, lr  }
0x1b: {  	s9 =	sadd.s32 $0xFFFFFEF7, lr;
	s5 =	simm.s32 $0xFFFFFFFF;
	p2 =	slt.u32 s8, $0xFFFFF086  }
0x1c: {  	p1 =	slt.u32 s9, $0xF7A;
	s5 =	simm.s32 @!p2 $0x0  }
0x1d: {  	s5 =	simm.s32 @p1 $0x1;
	p0 =	seq.s32 s7, s2  }
0x1e: {  	s7 =	smul.u32 @!p0 $0xF7A, s2;
	p2 =	seq.s32 @!p0 s5, $0x0  }
0x1f: {  	s9 =	smul.u32 $0xF7A, s1;
	s8 =	simm.s32 @!p0 $0x1BF5;
	p2 =	por !p2, p0  }
0x20: {  	[sflag:s8] =	ssyncset.s32 @!p0 $0xFFFFF086;
	s6 =	sadd.s32 @!p0 s3, s7;
	s7 =	simm.s32 @!p0 $0x108  }
0x21: {  	s3 =	sadd.s32 s3, s9;
	s6 =	sadd.s32 @!p0 $0x88, s6;
	s7 =	simm.s32 @p2 $0x1082  }
0x22: {  	[simem:s7], [sflag:s8] =	dma.local @!p0 [hbm:s6], $0xF7A  }
0x23: {  	s9 =	sor.u32 $0xD0000000, s2;
	s6 =	simm.s32 $0x108;
	_ =	swait.ge @!p0 [sflag:s8], $0x0  }
0x24: {  	s3 =	sadd.s32 $0x88, s3;
	s6 =	simm.s32 @!p1 $0x1082;
	[sflag:s4] =	ssyncset.s32 $0xFFFFF086  }
0x25: {  	[simem:s6], [sflag:s4] =	dma.local [hbm:s3], $0xF7A  }
0x26: {  	[smem:$0x3F9F] =	sst s1;
	(tag) =	ssettag s2;
	_ =	strace s9  }
0x27: {  	s1 =	sld [smem:$0x3FAF]  }
0x28: {  	s2 =	sld [smem:$0x3FB0]  }
0x29: {  	s4 =	sld [smem:$0x3FB2]  }
0x2a: {  	p0 =	seq.s32 s5, $0x0;
	s5 =	sld [smem:$0x3FB3]  }
0x2b: {  	s6 =	sld [smem:$0x3FB4]  }
0x2c: {  	s7 =	sld [smem:$0x3FB5]  }
0x2d: {  	s3 =	simm.s32 $0x108;
	s8 =	sld [smem:$0x3FB6]  }
0x2e: {  	s3 =	simm.s32 @!p0 $0x1082;
	s9 =	sld [smem:$0x3FB7]  }
0x2f: {  	lr =	sadd.s32 s0, s3;
	s0 =	sld [smem:$0x3FAE]  }
0x30: {  	s3 =	sld [smem:$0x3FB1]  }
0x31: {  	[smem:$0x3FBA] =	sst s10  }
0x32: {  	s10 =	sld [smem:$0x3FB8];
	_ =	sdelay $0x3  }
0x33: {  	p0 =	seq.s32 s10, $0x1;
	s10 =	sld [smem:$0x3FBA];
	_ =	sdelay $0x3  }
0x34: {  	[smem:$0x3FBA] =	sst s10  }
0x35: {  	s10 =	sld [smem:$0x3FB9];
	_ =	sdelay $0x3  }
0x36: {  	p1 =	seq.s32 s10, $0x1;
	s10 =	sld [smem:$0x3FBA];
	_ =	sdelay $0x3  }
0x37: {  	[smem:$0x3FBA] =	sst s10  }
0x38: {  	s10 =	sld [smem:$0x3FBB]  }
0x39: {  	_ = 	snop;
	(pc) =	sbr.ind lr, $3  }
0x3a: {  	_ = 	snop  }
0x3b: {  	_ = 	snop  }
0x3c: {  	p2 =	seq.s32 s10, $0x1;
	s10 =	sld [smem:$0x3FBA]  }
0x3d: {  	_ =	shalt  }
0x3e: {  	_ =	shalt  }
0x3f: {  	_ =	shalt  }
0x40: {  	_ =	shalt  }
0x41: {  	_ =	shalt  }
0x42: {  	_ =	shalt  }
0x43: {  	_ =	shalt  }
0x44: {  	_ =	shalt  }
0x45: {  	_ =	shalt  }
0x46: {  	_ =	shalt  }
0x47: {  	_ =	shalt  }
0x48: {  	_ =	shalt  }
0x49: {  	_ =	shalt  }
0x4a: {  	_ =	shalt  }
0x4b: {  	_ =	shalt  }
0x4c: {  	_ =	shalt  }
0x4d: {  	_ =	shalt  }
0x4e: {  	_ =	shalt  }
0x4f: {  	_ =	shalt  }
0x50: {  	_ =	shalt  }
0x51: {  	_ =	shalt  }
0x52: {  	_ =	shalt  }
0x53: {  	_ =	shalt  }
0x54: {  	_ =	shalt  }
0x55: {  	_ =	shalt  }
0x56: {  	_ =	shalt  }
0x57: {  	_ =	shalt  }
0x58: {  	_ =	shalt  }
0x59: {  	_ =	shalt  }
0x5a: {  	_ =	shalt  }
0x5b: {  	_ =	shalt  }
0x5c: {  	_ =	shalt  }
0x5d: {  	_ =	shalt  }
0x5e: {  	_ =	shalt  }
0x5f: {  	_ =	shalt  }
0x60: {  	_ =	shalt  }
0x61: {  	_ =	shalt  }
0x62: {  	_ =	shalt  }
0x63: {  	_ =	shalt  }
0x64: {  	_ =	shalt  }
0x65: {  	_ =	shalt  }
0x66: {  	_ =	shalt  }
0x67: {  	_ =	shalt  }
0x68: {  	_ =	shalt  }
0x69: {  	_ =	shalt  }
0x6a: {  	_ =	shalt  }
0x6b: {  	_ =	shalt  }
0x6c: {  	_ =	shalt  }
0x6d: {  	_ =	shalt  }
0x6e: {  	_ =	shalt  }
0x6f: {  	_ =	shalt  }
0x70: {  	_ =	shalt  }
0x71: {  	_ =	shalt  }
0x72: {  	_ =	shalt  }
0x73: {  	_ =	shalt  }
0x74: {  	_ =	shalt  }
0x75: {  	_ =	shalt  }
0x76: {  	_ =	shalt  }
0x77: {  	_ =	shalt  }
0x78: {  	_ =	shalt  }
0x79: {  	_ =	shalt  }
0x7a: {  	_ =	shalt  }
0x7b: {  	_ =	shalt  }
0x7c: {  	_ =	shalt  }
0x7d: {  	_ =	shalt  }
0x7e: {  	_ =	shalt  }
0x7f: {  	_ =	shalt  }
0x80: {  	_ =	shalt  }
0x81: {  	_ =	shalt  }
0x82: {  	_ =	shalt  }
0x83: {  	_ =	shalt  }
0x84: {  	_ =	shalt  }
0x85: {  	_ =	shalt  }
0x86: {  	_ =	shalt  }
0x87: {  	_ =	shalt  }
.Lfunc_end0:
.L_simem_size_0:
called_computation_lowered:
.L_overlay_start_0:
0x88: {  	s2 =	sld [smem:$0x3FD9]  }
0x89: {  	s3 =	sld [smem:$0x3FFE];
	_ =	sdelay $0x1  }
0x8a: {  	s1 =	srdreg.scid  }
0x8b: {  	s0 =	sand.u32 $0x1, s1  }
0x8c: {  	s17 =	sshll.u32 s0, $0xA;
	s2 =	sadd.s32 s3, s2  }
0x8d: {  	s2 =	sadd.s32 s2, s17  }
0x8e: {  	[smem:$0x3FC6] =	sst s2  }
0x8f: {  	_ = 	snop  }
0x90: {  	s2 =	sld [smem:$0x3FC9];
	(tm) =	ssettm $0x1  }
0x91: {  	s18 =	sld [smem:$0x3FFB];
	_ =	sdelay $0x3  }
0x92: {  	_ =	strace s18  }
0x93: {  	s3 =	sld [smem:$0x3FFC];
	_ =	sdelay $0x3  }
0x94: {  	_ =	strace s3  }
0x95: {  	s3 =	sld [smem:$0x3FFD];
	_ =	sdelay $0x3  }
0x96: {  	_ =	strace s3  }
0x97: {  	_ =	strace $0x8FFFFFFF  }
0x98: {  	s19 =	sld [smem:$0x3FDB];
	_ =	sdelay $0x1  }
0x99: {  	s4 =	simm.s32 $_scs_section_size  }
0x9a: {  	s5 =	simm.s32 $_size__tile_overlayer_lowered;
	s6 =	simm.s32 $_tile_overlayer_lowered  }
0x9b: {  	s22 =	simm.s32 $0x1BFF;
	s21 =	sshll.u32 s6, $0x1;
	s3 =	sadd.s32 s4, s19  }
0x9c: {  	s7 =	simm.s32 $0x0;
	s20 =	sshll.u32 s5, $0x1;
	s5 =	sadd.s32 s21, s3  }
0x9d: {  	[timem:s7], [sflag:s22] =	dma.local [hbm:s5], s20  }
0x9e: {  	_ =	swait.ge [sflag:s22], s20  }
0x9f: {  	s4 =	ssub.s32 $0x0, s20;
	[sflag:s22] =	ssyncset.done $0x0  }
0xa0: {  	[sflag:s22] =	ssyncadd.s32 s4;
	_ =	sdelay $0x1  }
0xa1: {  	s23 =	simm.s32 $0x1B8B  }
0xa2: {  	_ =	swait.ge [sflag:s23], $0x1  }
0xa3: {  	[sflag:s23] =	ssyncset.done $0x0  }
0xa4: {  	s25 =	simm.s32 $0x1B8E;
	s24 =	sld [smem:$0x3FFE];
	[sflag:s23] =	ssyncadd.s32 $0xFFFFFFFF  }
0xa5: {  	s26 =	simm.s32 $execute0_lowered;
	[smem:$0x3FD2] =	sst s25  }
0xa6: {  	s5 =	sshll.u32 s26, $0x1;
	_ =	strace $0x80000046;
	[dreg:$0x1] =	wrdreg $0xFFFFFFFF  }
0xa7: {  	s28 =	simm.s32 $_size_execute0_lowered;
	s3 =	sadd.s32 s3, s5;
	[dreg:$0x0] =	wrdreg $0x0  }
0xa8: {  	s5 =	sshll.u32 s28, $0x1;
	[dreg:$0x2] =	wrdreg s3  }
0xa9: {  	[dreg:$0x3] =	wrdreg s5  }
0xaa: {  	[dreg:$0x4] =	wrdreg $0xC0  }
0xab: {  	_ =	task [dreg:s7], $0x5FFFF  }
0xac: {  	[dreg:$0x1] =	wrdreg $0xFFFFFFFF  }
0xad: {  	[dreg:$0x0] =	wrdreg $0x60  }
0xae: {  	[dreg:$0x2] =	wrdreg s2  }
0xaf: {  	[dreg:$0x3] =	wrdreg s24  }
0xb0: {  	[dreg:$0x4] =	wrdreg $0x9  }
0xb1: {  	_ =	task.clear_ibuf [dreg:s7], $0x5FFFF;
	_ =	strace $0x90000046  }
0xb2: {  	s29 =	simm.s32 $0x9;
	_ =	strace $0x80000048  }
0xb3: {  	_ =	swait.ge [sflag:s29], $0x1  }
0xb4: {  	[sflag:s29] =	ssyncadd.s32 $0xFFFFFFFF  }
0xb5: {  	_ =	strace $0x90000048  }
0xb6: {  	_ =	sfence  }
0xb7: {  	s30 =	sld [smem:$0x0];
	_ =	sdelay $0x2  }
0xb8: {  	s31 =	sshll.u32 s1, $0xD;
	s1 =	sshrl.u32 s1, $0x2  }
0xb9: {  	s3 =	sand.u32 $0x4000, s31;
	s1 =	sadd.s32 s1, s30  }
0xba: {  	s0 =	sor.u32 s3, s0;
	s1 =	sshll.u32 s1, $0x11  }
0xbb: {  	s0 =	sor.u32 s1, s0  }
0xbc: {  	s0 =	sadd.s32 $0x8F2B, s0  }
0xbd: {  	[sflag:s0] =	ssyncadd.remote.s32 $0x1  }
0xbe: {  	_ =	sfence.sel $0xFFFF  }
0xbf: {  	[dreg:$0x0] =	wrdreg $0xFFFFFFFF;
	(pc) =	sbr.abs _section_cstart, $3  }
0xc0: {  	[dreg:$0x1] =	wrdreg $0xFFFFFFFF  }
0xc1: {  	_ =	task.clear_ibuf [dreg:s7], $0x2FFFF;
	_ =	strace $0x9FFFFFFF  }
0xc2: {  	(tm) =	ssettm $0x7FFFFFFF  }
0xc3: {  	_ =	shalt  }
tec
execute0_lowered:
.L_overlay_start_1:
0x0: {  	(tag) =	ssettag $0x1  }
0x1: {  	s5 =	rddreg [dreg:$0x0];
	s1 =	srdreg.scid;
	v0 =	vimm.s32 $0x76543210;
	v1 =	vimm.s32 $0xFEDCBA98;
	v2 =	vimm.s32 $0xBA98FEDC  }
0x2: {  	s0 =	stileid.u32;
	s3 =	rddreg [dreg:$0x1];
	s2 =	simm.s32 $0x0;
	v3 =	vimm.s32 $0x32107654;
	v4 =	vimm.s32 $0xDCFE98BA;
	v5 =	vimm.s32 $0x54761032  }
0x3: {  	v6 =	vimm.s32 $0xEFCDAB89;
	v7 =	vimm.s32 $0x67452301;
	s13 =	simm.s32 $0xD00;
	s14 =	simm.s32 $0x2;
	s15 =	simm.s32 $0x0  }
0x4: {  	s4 =	sand.u32 $0x1, s1;
	s6 =	sshll.u32 s0, $0x1;
	v0 =	vunpack.c.l.s4.s8 v0;
	v1 =	vunpack.c.l.s4.s8 v1;
	s1 =	rddreg [dreg:$0x2];
	v2 =	vunpack.c.l.s4.s8 v2  }
0x5: {  	[smem:$0x7FF] =	sst s2;
	v3 =	vunpack.c.l.s4.s8 v3;
	v4 =	vunpack.c.l.s4.s8 v4;
	v5 =	vunpack.c.l.s4.s8 v5;
	s9 =	smul.u32 $0x1880, s0;
	s11 =	sor.u32 s4, s6  }
0x6: {  	v6 =	vunpack.c.l.s4.s8 v6;
	v7 =	vunpack.c.l.s4.s8 v7;
	_ =	strace $0x80000047;
	s29 =	ssub.s32 $0x2, s4;
	s10 =	smul.u32 $0xC40, s4;
	v2 =	vunpack.c.0.s8.s32 v2  }
0x7: {  	s6 =	sshll.u32 s11, $0x4;
	s7 =	smul.u32 $0xC40, s11;
	s31 =	sshrl.u32 s29, $0x1;
	v3 =	vunpack.c.0.s8.s32 v3;
	v4 =	vunpack.c.0.s8.s32 v4;
	v5 =	vunpack.c.0.s8.s32 v5  }
0x8: {  	v1 =	vunpack.c.0.s8.s32 v1;
	v6 =	vunpack.c.0.s8.s32 v6;
	v7 =	vunpack.c.0.s8.s32 v7;
	p0 =	seq.s32 s11, $0x1F;
	s11 =	simm.s32 $0x1;
	s8 =	sadd.s32 s6, s3  }
0x9: {  	s12 =	ssub.s32 s29, s31;
	s10 =	sadd.s32 s10, s9;
	s30 =	sshrl.u32 s7, $0x3;
	v2 =	vcombine.low v3, v2;
	v3 =	vcombine.low v5, v4;
	v4 =	vunpack.c.0.s8.s32 v0  }
0xa: {  	vm0 =	vcmask $0x30C;
	s6 =	sadd.s32 $0xC00, s8;
	s7 =	sadd.s32 $0xE00, s8;
	s8 =	smax.u32 s12, $0x1;
	v5 =	vcombine.low v7, v6;
	v1 =	vand.u32 $0xF, v1  }
0xb: {  	vm1 =	vcmask $0x70C;
	s9 =	sadd.s32 $0x60, s10;
	s10 =	sadd.s32 $0x680, s10;
	v0 =	vlaneseq.u32;
	s3 =	sadd.s32 s5, s30;
	v1 =	vcombine.low v1, v4  }
0xc: {  	s12 =	simm.s32 $0xC80;
	s5 =	sadd.s32 $0x303C, s5;
	s4 =	sadd.s32 $0xC4, s3;
	v2 =	vand.u32 $0xF, v2;
	v3 =	vand.u32 $0xF, v3;
	v4 =	vand.u32 $0xF, v5  }
.LBB2_1:
0xd: {  	[tilespmem:s2], [sflag:$0x1] =	stream.linear.gather [hbm4b:s3+s2], $0x620, $0x38;
	[tilespmem:$0xD80] =	vst v63  }
0xe: {  	s16 =	simm.s32 @p0 $0x0;
	s17 =	simm.s32 @p0 $0x620  }
0xf: {  	v5 =	vimm.f32 @p0 $-Inf;
	[tilespmem:s17], [sflag:$0x2] =	stream.linear.gather @p0 [hbm4b:s5+s16], $0x4C0, $0x38;
	[tilespmem:$0xD80] =	vst v63  }
0x10: {  	[tilespmem:$0xAE0] =	vst @p0 v5  }
0x11: {  	[tilespmem:$0xAF0] =	vst @p0 v5  }
0x12: {  	[tilespmem:$0xB00] =	vst @p0 v5  }
0x13: {  	[tilespmem:$0xB10] =	vst @p0 v5  }
0x14: {  	[tilespmem:$0xB20] =	vst @p0 v5  }
0x15: {  	[tilespmem:$0xB30] =	vst @p0 v5  }
0x16: {  	[tilespmem:$0xB40] =	vst @p0 v5  }
0x17: {  	[tilespmem:$0xB50] =	vst @p0 v5  }
0x18: {  	[tilespmem:$0xB60] =	vst @p0 v5  }
0x19: {  	[tilespmem:$0xB70] =	vst @p0 v5  }
0x1a: {  	[tilespmem:$0xB80] =	vst @p0 v5  }
0x1b: {  	[tilespmem:$0xB90] =	vst @p0 v5  }
0x1c: {  	[tilespmem:$0xBA0] =	vst @p0 v5  }
0x1d: {  	[tilespmem:$0xBB0] =	vst @p0 v5  }
0x1e: {  	[tilespmem:$0xBC0] =	vst @p0 v5  }
0x1f: {  	[tilespmem:$0xBD0] =	vst @p0 v5  }
0x20: {  	[tilespmem:$0xBE0] =	vst @p0 v5  }
0x21: {  	[tilespmem:$0xBF0] =	vst @p0 v5  }
0x22: {  	[tilespmem:$0xC00] =	vst @p0 v5  }
0x23: {  	[tilespmem:$0xC10] =	vst @p0 v5  }
0x24: {  	[tilespmem:$0xC20] =	vst @p0 v5  }
0x25: {  	s16 =	simm.s32 @!p0 $0x0;
	s17 =	simm.s32 @!p0 $0x620;
	[tilespmem:$0xC30] =	vst @p0 v5  }
0x26: {  	[tilespmem:s17], [sflag:$0x2] =	stream.linear.gather @!p0 [hbm4b:s4+s16], $0x620, $0x38;
	[tilespmem:$0xD80] =	vst v63  }
0x27: {  	_ =	swait.ge [sflag:s11], $0x620  }
0x28: {  	[sflag:s11] =	ssyncset.done $0x0  }
0x29: {  	s28 =	simm.s32 $0x30;
	[sflag:s11] =	ssyncadd.s32 $0xFFFFF9E0  }
0x2a: {  	v5 =	vld [tilespmem:s28+$0xFFFFFFD0];
	_ =	sdelay $0x2  }
0x2b: {  	s29 =	sadd.s32 $0xFFFFFFE0, s9;
	v6 =	vld [tilespmem:s28+$0xFFFFFFE0]  }
0x2c: {  	v7 =	vimm.f32 $-Inf;
	v8 =	vimm.s32 $0x7FFFFFFF;
	s18 =	sadd.s32 $0xFFFFFFF0, s9;
	s30 =	sadd.s32 $0xFFFFFFD0, s9;
	v9 =	vor.u32 s29, v0  }
0x2d: {  	s31 =	sadd.s32 $0xFFFFFFA0, s9;
	s19 =	sadd.s32 $0xFFFFFFB0, s9;
	v11 =	vor.u32 s18, v0;
	v12 =	vor.u32 s30, v0;
	vm2 =	vgt.f32 v5, v7  }
0x2e: {  	s20 =	sadd.s32 $0xFFFFFFC0, s9;
	v13 =	vor.u32 s31, v0;
	v14 =	vor.u32 s19, v0;
	v10 =	vld [tilespmem:s28+$0xFFFFFFF0];
	v5 =	vsel vm2, v5, v7  }
0x2f: {  	v15 =	vor.u32 s20, v0;
	v13 =	vsel vm2, v13, v8;
	v7 =	vsel vm2, v7, v5  }
0x30: {  	vm4 =	vgt.f32 v6, v5;
	v8 =	vsel vm2, v8, v13;
	vm3 =	vgt.f32 v6, v7  }
0x31: {  	v59 =	vsel vm4, v14, v13;
	v16 =	vsel vm3, v6, v7;
	v14 =	vsel vm3, v14, v8  }
0x32: {  	v18 =	vsel vm4, v5, v16;
	v7 =	vsel vm3, v7, v16;
	v5 =	vsel vm4, v6, v5  }
0x33: {  	v17 =	vld [tilespmem:s28+$0x0];
	v8 =	vsel vm3, v8, v14;
	v13 =	vsel vm4, v13, v14;
	vm5 =	vgt.f32 v10, v7  }
0x34: {  	vm2 =	vgt.f32 v10, v18;
	vm6 =	vgt.f32 v10, v5;
	v7 =	vsel vm5, v10, v7  }
0x35: {  	v6 =	vsel vm2, v10, v18;
	v61 =	vsel vm2, v15, v13;
	v8 =	vsel vm5, v15, v8  }
0x36: {  	v60 =	vld [tilespmem:s28+$0x10];
	v7 =	vsel vm2, v18, v7;
	v6 =	vsel vm6, v5, v6;
	v5 =	vsel vm6, v10, v5  }
0x37: {  	v10 =	vsel vm6, v15, v59;
	v16 =	vsel vm6, v59, v61;
	v8 =	vsel vm2, v13, v8  }
0x38: {  	vm7 =	vgt.f32 v17, v7;
	vm3 =	vgt.f32 v17, v6;
	vm8 =	vgt.f32 v17, v5  }
0x39: {  	v7 =	vsel vm7, v17, v7;
	v19 =	vsel vm3, v17, v6;
	v14 =	vsel vm8, v17, v5  }
0x3a: {  	v62 =	vsel vm8, v12, v10;
	v13 =	vsel vm3, v12, v16;
	v8 =	vsel vm7, v12, v8  }
0x3b: {  	v20 =	vld [tilespmem:s28+$0x20];
	v5 =	vsel vm8, v5, v19;
	vm13 =	vgt.f32 v60, v14;
	v6 =	vsel vm3, v6, v7  }
0x3c: {  	v10 =	vsel vm8, v10, v13;
	vm4 =	vgt.f32 v60, v5;
	vm2 =	vgt.f32 v60, v6  }
0x3d: {  	v8 =	vsel vm3, v16, v8;
	v63 =	vsel vm4, v60, v5;
	v12 =	vsel vm2, v60, v6  }
0x3e: {  	v13 =	vsel vm13, v9, v62;
	v6 =	vld [tilespmem:s28+$0x30];
	v7 =	vsel vm13, v14, v63;
	v5 =	vsel vm4, v5, v12  }
0x3f: {  	v12 =	vsel vm13, v60, v14;
	v14 =	vsel vm2, v9, v8;
	v9 =	vsel vm4, v9, v10  }
0x40: {  	vm5 =	vgt.f32 v20, v5;
	vm14 =	vgt.f32 v20, v12;
	vm15 =	vgt.f32 v20, v7  }
0x41: {  	v14 =	vsel vm4, v10, v14;
	v5 =	vsel vm5, v20, v5;
	v15 =	vsel vm15, v20, v7  }
0x42: {  	v8 =	vsel vm14, v11, v13;
	v5 =	vsel vm15, v7, v5;
	v7 =	vsel vm14, v12, v15  }
0x43: {  	v15 =	vsel vm13, v62, v9;
	vm3 =	vgt.f32 v6, v5;
	vm2 =	vgt.f32 v6, v7  }
0x44: {  	v9 =	vsel vm14, v20, v12;
	v5 =	vsel vm3, v6, v5;
	v10 =	vsel vm2, v6, v7  }
0x45: {  	v7 =	vsel vm2, v7, v5;
	v5 =	vsel vm15, v11, v15;
	v11 =	vsel vm5, v11, v14  }
0x46: {  	s18 =	simm.s32 $0xA0;
	s16 =	simm.s32 $0x0;
	s17 =	sadd.s32 $0x70, s9;
	v12 =	vsel vm14, v13, v5;
	v5 =	vsel vm15, v15, v11;
	v11 =	vor.u32 s9, v0  }
.LBB2_2:
0x47: {  	v13 =	vld [tilespmem:s18+$0xFFFFFFD0];
	s19 =	sadd.s32 $0xFFFFFFE0, s17;
	s20 =	sadd.s32 $0xFFFFFFF0, s17;
	s16 =	sadd.s32 $0x7, s16;
	vm4 =	vgt.f32 v6, v9;
	v14 =	vsel vm3, v11, v5  }
0x48: {  	v16 =	vsel vm2, v11, v12;
	v15 =	vor.u32 s19, v0;
	v5 =	vor.u32 s20, v0;
	p1 =	slt.u32 s16, $0x5B  }
0x49: {  	s19 =	sadd.s32 $0xFFFFFFD0, s17;
	v10 =	vsel vm4, v9, v10;
	v16 =	vsel vm4, v8, v16;
	v12 =	vsel vm2, v12, v14  }
0x4a: {  	s21 =	sadd.s32 $0xFFFFFFB0, s17;
	s22 =	sadd.s32 $0xFFFFFFC0, s17;
	s20 =	sadd.s32 $0xFFFFFFA0, s17;
	v6 =	vsel vm4, v6, v9;
	v8 =	vsel vm4, v11, v8;
	v17 =	vor.u32 s19, v0;
	v14 =	vld [tilespmem:s18+$0xFFFFFFE0]  }
0x4b: {  	v11 =	vor.u32 s21, v0;
	v18 =	vor.u32 s22, v0;
	v9 =	vor.u32 s20, v0  }
0x4c: {  	vm4 =	vgt.f32 v13, v6;
	vm6 =	vgt.f32 v13, v10;
	vm2 =	vgt.f32 v13, v7  }
0x4d: {  	v19 =	vsel vm4, v9, v8;
	v20 =	vsel vm6, v13, v10;
	v7 =	vsel vm2, v13, v7;
	v21 =	vld [tilespmem:s18+$0xFFFFFFF0]  }
0x4e: {  	v13 =	vsel vm4, v13, v6;
	v6 =	vsel vm4, v6, v20;
	v7 =	vsel vm6, v10, v7  }
0x4f: {  	v10 =	vsel vm2, v9, v12;
	vm7 =	vgt.f32 v14, v6;
	vm8 =	vgt.f32 v14, v7  }
0x50: {  	vm5 =	vgt.f32 v14, v13;
	v12 =	vsel vm7, v14, v6;
	v7 =	vsel vm8, v14, v7;
	v20 =	vld [tilespmem:s18+$0x0]  }
0x51: {  	v10 =	vsel vm6, v16, v10;
	v12 =	vsel vm5, v13, v12;
	v6 =	vsel vm7, v6, v7  }
0x52: {  	v7 =	vsel vm5, v11, v19;
	vm2 =	vgt.f32 v21, v12;
	vm3 =	vgt.f32 v21, v6  }
0x53: {  	v10 =	vsel vm8, v11, v10;
	v22 =	vsel vm2, v21, v12;
	v6 =	vsel vm3, v21, v6  }
0x54: {  	v9 =	vsel vm6, v9, v16;
	v13 =	vsel vm5, v14, v13;
	v6 =	vsel vm2, v12, v6  }
0x55: {  	v8 =	vsel vm4, v8, v9;
	vm4 =	vgt.f32 v21, v13;
	vm6 =	vgt.f32 v20, v6;
	v9 =	vld [tilespmem:s18+$0x10]  }
0x56: {  	v10 =	vsel vm7, v8, v10;
	v12 =	vsel vm4, v13, v22;
	v6 =	vsel vm6, v20, v6  }
0x57: {  	v8 =	vsel vm7, v11, v8;
	v11 =	vsel vm4, v21, v13;
	vm7 =	vgt.f32 v20, v12  }
0x58: {  	v13 =	vsel vm4, v18, v7;
	vm8 =	vgt.f32 v20, v11;
	v14 =	vsel vm7, v20, v12  }
0x59: {  	v8 =	vsel vm5, v19, v8;
	v16 =	vsel vm8, v20, v11;
	v11 =	vsel vm8, v11, v14  }
0x5a: {  	v19 =	vsel vm8, v17, v13;
	v14 =	vsel vm2, v18, v8;
	vm5 =	vgt.f32 v9, v11  }
0x5b: {  	v7 =	vsel vm4, v7, v14;
	vm4 =	vgt.f32 v9, v16;
	v14 =	vsel vm5, v9, v11;
	v20 =	vld [tilespmem:s18+$0x20]  }
0x5c: {  	v10 =	vsel vm3, v18, v10;
	v6 =	vsel vm7, v12, v6;
	v12 =	vsel vm4, v16, v14  }
0x5d: {  	v8 =	vsel vm2, v8, v10;
	v10 =	vsel vm7, v17, v7;
	vm2 =	vgt.f32 v9, v6  }
0x5e: {  	v8 =	vsel vm6, v17, v8;
	v10 =	vsel vm8, v13, v10;
	v13 =	vsel vm2, v9, v6;
	v6 =	vld [tilespmem:s18+$0x30]  }
0x5f: {  	v7 =	vsel vm7, v7, v8;
	v14 =	vsel vm4, v15, v19;
	v8 =	vsel vm5, v11, v13  }
0x60: {  	v9 =	vsel vm4, v9, v16;
	v7 =	vsel vm2, v15, v7;
	vm6 =	vgt.f32 v20, v8  }
0x61: {  	vm7 =	vgt.f32 v20, v9;
	vm8 =	vgt.f32 v20, v12;
	v8 =	vsel vm6, v20, v8  }
0x62: {  	v11 =	vsel vm5, v15, v10;
	v13 =	vsel vm8, v20, v12;
	v12 =	vsel vm8, v12, v8  }
.Ltmp0:
0x63: {  	v8 =	vsel vm7, v5, v14;
	v13 =	vsel vm7, v9, v13;
	vm3 =	vgt.f32 v6, v12;
	(pc) =	sbr.rel @p1 .LBB2_2-.Ltmp0, $4  }
0x64: {  	v15 =	vsel vm5, v10, v7;
	vm2 =	vgt.f32 v6, v13;
	v7 =	vsel vm3, v6, v12  }
0x65: {  	v11 =	vsel vm4, v19, v11;
	v10 =	vsel vm2, v6, v13;
	v7 =	vsel vm2, v13, v7  }
0x66: {  	v9 =	vsel vm7, v20, v9;
	v12 =	vsel vm8, v5, v11;
	v5 =	vsel vm6, v5, v15  }
0x67: {  	s18 =	sadd.s32 $0x70, s18;
	v12 =	vsel vm7, v14, v12;
	v5 =	vsel vm8, v11, v5;
	v11 =	vor.u32 s17, v0;
	s17 =	sadd.s32 $0x70, s17  }
0x68: {  	s16 =	simm.s32 @p0 $0x2  }
0x69: {  	_ =	swait.ge @p0 [sflag:s16], $0x4C0  }
0x6a: {  	[sflag:s16] =	ssyncset.done @p0 $0x0  }
0x6b: {  	[sflag:s16] =	ssyncadd.s32 @p0 $0xFFFFFB40;
	s16 =	simm.s32 @!p0 $0x2  }
0x6c: {  	_ =	swait.ge @!p0 [sflag:s16], $0x620  }
0x6d: {  	[sflag:s16] =	ssyncset.done @!p0 $0x0  }
0x6e: {  	s29 =	simm.s32 $0x680;
	[sflag:s16] =	ssyncadd.s32 @!p0 $0xFFFFF9E0  }
0x6f: {  	vm4 =	vgt.f32 v6, v9;
	v13 =	vsel vm2, v11, v12;
	v14 =	vld [tilespmem:s29+$0xFFFFFFA0]  }
0x70: {  	v5 =	vsel vm3, v11, v5;
	v10 =	vsel vm4, v9, v10;
	v13 =	vsel vm4, v8, v13  }
0x71: {  	s17 =	sadd.s32 $0xFFFFFFE0, s10;
	s18 =	sadd.s32 $0xFFFFFFF0, s10;
	s19 =	sadd.s32 $0xFFFFFFD0, s10;
	v5 =	vsel vm2, v12, v5;
	v6 =	vsel vm4, v6, v9;
	v8 =	vsel vm4, v11, v8  }
0x72: {  	s30 =	sadd.s32 $0xFFFFFFA0, s10;
	s31 =	sadd.s32 $0xFFFFFFB0, s10;
	s20 =	sadd.s32 $0xFFFFFFC0, s10;
	v9 =	vor.u32 s17, v0;
	v15 =	vor.u32 s18, v0;
	v12 =	vor.u32 s19, v0;
	v11 =	vld [tilespmem:s29+$0xFFFFFFB0]  }
0x73: {  	v16 =	vor.u32 s30, v0;
	v17 =	vor.u32 s31, v0;
	v18 =	vor.u32 s20, v0  }
0x74: {  	vm3 =	vgt.f32 v14, v6;
	vm4 =	vgt.f32 v14, v10;
	vm2 =	vgt.f32 v14, v7  }
0x75: {  	v19 =	vsel vm3, v16, v8;
	v20 =	vsel vm4, v14, v10;
	v7 =	vsel vm2, v14, v7  }
0x76: {  	v21 =	vld [tilespmem:s29+$0xFFFFFFC0];
	v14 =	vsel vm3, v14, v6;
	v5 =	vsel vm2, v16, v5;
	v6 =	vsel vm3, v6, v20  }
0x77: {  	v7 =	vsel vm4, v10, v7;
	vm7 =	vgt.f32 v11, v14;
	v5 =	vsel vm4, v13, v5  }
0x78: {  	v13 =	vsel vm4, v16, v13;
	vm5 =	vgt.f32 v11, v6;
	vm6 =	vgt.f32 v11, v7  }
0x79: {  	v8 =	vsel vm3, v8, v13;
	v10 =	vsel vm5, v11, v6;
	v7 =	vsel vm6, v11, v7  }
0x7a: {  	v5 =	vsel vm6, v17, v5;
	v11 =	vsel vm7, v11, v14;
	v10 =	vsel vm7, v14, v10  }
0x7b: {  	v6 =	vsel vm5, v6, v7;
	v7 =	vsel vm7, v17, v19;
	vm3 =	vgt.f32 v21, v11  }
0x7c: {  	v57 =	vld [tilespmem:s29+$0xFFFFFFD0];
	v5 =	vsel vm5, v8, v5;
	v8 =	vsel vm5, v17, v8;
	vm2 =	vgt.f32 v21, v10  }
0x7d: {  	vm8 =	vgt.f32 v21, v6;
	v14 =	vsel vm3, v18, v7;
	v8 =	vsel vm7, v19, v8  }
0x7e: {  	v22 =	vsel vm2, v21, v10;
	v6 =	vsel vm8, v21, v6;
	v60 =	vsel vm2, v18, v8  }
0x7f: {  	v13 =	vld [tilespmem:s29+$0xFFFFFFE0];
	v5 =	vsel vm8, v18, v5;
	v6 =	vsel vm2, v10, v6;
	v10 =	vsel vm3, v11, v22  }
0x80: {  	v11 =	vsel vm3, v21, v11;
	v7 =	vsel vm3, v7, v60;
	v5 =	vsel vm2, v8, v5  }
0x81: {  	vm4 =	vgt.f32 v57, v6;
	vm5 =	vgt.f32 v57, v10;
	vm13 =	vgt.f32 v57, v11  }
0x82: {  	v6 =	vsel vm4, v57, v6;
	v58 =	vsel vm5, v57, v10;
	v59 =	vsel vm13, v57, v11  }
0x83: {  	v61 =	vsel vm13, v12, v14;
	v8 =	vsel vm5, v12, v7;
	v5 =	vsel vm4, v12, v5  }
0x84: {  	v63 =	vld [tilespmem:s29+$0xFFFFFFF0];
	v11 =	vsel vm13, v11, v58;
	vm9 =	vgt.f32 v13, v59;
	v6 =	vsel vm5, v10, v6  }
0x85: {  	v8 =	vsel vm13, v14, v8;
	v5 =	vsel vm5, v7, v5;
	vm14 =	vgt.f32 v13, v11  }
0x86: {  	vm2 =	vgt.f32 v13, v6;
	v7 =	vsel vm9, v9, v61;
	v62 =	vsel vm14, v13, v11  }
0x87: {  	v10 =	vld [tilespmem:s29+$0x0];
	v6 =	vsel vm2, v13, v6;
	v5 =	vsel vm2, v9, v5;
	v12 =	vsel vm14, v9, v8  }
0x88: {  	v16 =	vsel vm9, v59, v62;
	v6 =	vsel vm14, v11, v6;
	v11 =	vsel vm9, v13, v59  }
0x89: {  	v8 =	vsel vm14, v8, v5;
	vm4 =	vgt.f32 v63, v6;
	vm15 =	vgt.f32 v63, v16  }
0x8a: {  	vm5 =	vgt.f32 v63, v11;
	v6 =	vsel vm4, v63, v6;
	v13 =	vsel vm15, v63, v16  }
0x8b: {  	v9 =	vsel vm5, v15, v7;
	v14 =	vsel vm4, v15, v8;
	v6 =	vsel vm15, v16, v6  }
0x8c: {  	v13 =	vsel vm5, v11, v13;
	v11 =	vsel vm5, v63, v11;
	vm3 =	vgt.f32 v10, v6  }
0x8d: {  	vm2 =	vgt.f32 v10, v13;
	v5 =	vsel vm3, v10, v6;
	v6 =	vsel vm9, v61, v12  }
0x8e: {  	v12 =	vsel vm2, v10, v13;
	v5 =	vsel vm2, v13, v5;
	v13 =	vsel vm15, v15, v6  }
0x8f: {  	s17 =	sadd.s32 $0x70, s10;
	s18 =	simm.s32 $0x6F0;
	s16 =	simm.s32 $0x62;
	v6 =	vsel vm15, v6, v14;
	v8 =	vsel vm5, v7, v13;
	v7 =	vor.u32 s10, v0  }
.LBB2_4:
0x90: {  	v13 =	vld [tilespmem:s18+$0xFFFFFFA0];
	s19 =	sadd.s32 $0xFFFFFFE0, s17;
	s20 =	sadd.s32 $0xFFFFFFF0, s17;
	s16 =	sadd.s32 $0x7, s16;
	vm4 =	vgt.f32 v10, v11;
	v14 =	vsel vm3, v7, v6  }
0x91: {  	v16 =	vsel vm2, v7, v8;
	v15 =	vor.u32 s19, v0;
	v6 =	vor.u32 s20, v0;
	p1 =	slt.u32 s16, $0xBD  }
0x92: {  	s19 =	sadd.s32 $0xFFFFFFD0, s17;
	v12 =	vsel vm4, v11, v12;
	v16 =	vsel vm4, v9, v16;
	v8 =	vsel vm2, v8, v14  }
0x93: {  	s21 =	sadd.s32 $0xFFFFFFB0, s17;
	s22 =	sadd.s32 $0xFFFFFFC0, s17;
	s20 =	sadd.s32 $0xFFFFFFA0, s17;
	v10 =	vsel vm4, v10, v11;
	v7 =	vsel vm4, v7, v9;
	v17 =	vor.u32 s19, v0;
	v14 =	vld [tilespmem:s18+$0xFFFFFFB0]  }
0x94: {  	v11 =	vor.u32 s21, v0;
	v18 =	vor.u32 s22, v0;
	v9 =	vor.u32 s20, v0  }
0x95: {  	vm4 =	vgt.f32 v13, v10;
	vm6 =	vgt.f32 v13, v12;
	vm2 =	vgt.f32 v13, v5  }
0x96: {  	v19 =	vsel vm4, v9, v7;
	v20 =	vsel vm6, v13, v12;
	v5 =	vsel vm2, v13, v5;
	v21 =	vld [tilespmem:s18+$0xFFFFFFC0]  }
0x97: {  	v13 =	vsel vm4, v13, v10;
	v10 =	vsel vm4, v10, v20;
	v5 =	vsel vm6, v12, v5  }
0x98: {  	v8 =	vsel vm2, v9, v8;
	vm7 =	vgt.f32 v14, v10;
	vm8 =	vgt.f32 v14, v5  }
0x99: {  	vm5 =	vgt.f32 v14, v13;
	v12 =	vsel vm7, v14, v10;
	v5 =	vsel vm8, v14, v5;
	v20 =	vld [tilespmem:s18+$0xFFFFFFD0]  }
0x9a: {  	v8 =	vsel vm6, v16, v8;
	v12 =	vsel vm5, v13, v12;
	v5 =	vsel vm7, v10, v5  }
0x9b: {  	v10 =	vsel vm5, v11, v19;
	vm2 =	vgt.f32 v21, v12;
	vm3 =	vgt.f32 v21, v5  }
0x9c: {  	v8 =	vsel vm8, v11, v8;
	v22 =	vsel vm2, v21, v12;
	v5 =	vsel vm3, v21, v5  }
0x9d: {  	v9 =	vsel vm6, v9, v16;
	v13 =	vsel vm5, v14, v13;
	v5 =	vsel vm2, v12, v5  }
0x9e: {  	v7 =	vsel vm4, v7, v9;
	vm4 =	vgt.f32 v21, v13;
	vm6 =	vgt.f32 v20, v5;
	v9 =	vld [tilespmem:s18+$0xFFFFFFE0]  }
0x9f: {  	v8 =	vsel vm7, v7, v8;
	v12 =	vsel vm4, v13, v22;
	v5 =	vsel vm6, v20, v5  }
0xa0: {  	v7 =	vsel vm7, v11, v7;
	v11 =	vsel vm4, v21, v13;
	vm7 =	vgt.f32 v20, v12  }
0xa1: {  	v13 =	vsel vm4, v18, v10;
	vm8 =	vgt.f32 v20, v11;
	v14 =	vsel vm7, v20, v12  }
0xa2: {  	v7 =	vsel vm5, v19, v7;
	v16 =	vsel vm8, v20, v11;
	v11 =	vsel vm8, v11, v14  }
0xa3: {  	v19 =	vsel vm8, v17, v13;
	v14 =	vsel vm2, v18, v7;
	vm5 =	vgt.f32 v9, v11  }
0xa4: {  	v14 =	vsel vm4, v10, v14;
	vm4 =	vgt.f32 v9, v16;
	v10 =	vsel vm5, v9, v11;
	v20 =	vld [tilespmem:s18+$0xFFFFFFF0]  }
0xa5: {  	v8 =	vsel vm3, v18, v8;
	v5 =	vsel vm7, v12, v5;
	v12 =	vsel vm4, v16, v10  }
0xa6: {  	v7 =	vsel vm2, v7, v8;
	v8 =	vsel vm7, v17, v14;
	vm2 =	vgt.f32 v9, v5  }
0xa7: {  	v7 =	vsel vm6, v17, v7;
	v8 =	vsel vm8, v13, v8;
	v5 =	vsel vm2, v9, v5;
	v10 =	vld [tilespmem:s18+$0x0]  }
0xa8: {  	v7 =	vsel vm7, v14, v7;
	v13 =	vsel vm4, v15, v19;
	v5 =	vsel vm5, v11, v5  }
0xa9: {  	v7 =	vsel vm2, v15, v7;
	v11 =	vsel vm4, v9, v16;
	vm6 =	vgt.f32 v20, v5  }
0xaa: {  	vm7 =	vgt.f32 v20, v11;
	vm8 =	vgt.f32 v20, v12;
	v5 =	vsel vm6, v20, v5  }
0xab: {  	v14 =	vsel vm5, v15, v8;
	v15 =	vsel vm8, v20, v12;
	v5 =	vsel vm8, v12, v5  }
.Ltmp1:
0xac: {  	v9 =	vsel vm7, v6, v13;
	v15 =	vsel vm7, v11, v15;
	vm3 =	vgt.f32 v10, v5;
	(pc) =	sbr.rel @p1 .LBB2_4-.Ltmp1, $4  }
0xad: {  	v7 =	vsel vm5, v8, v7;
	vm2 =	vgt.f32 v10, v15;
	v5 =	vsel vm3, v10, v5  }
0xae: {  	v14 =	vsel vm4, v19, v14;
	v12 =	vsel vm2, v10, v15;
	v5 =	vsel vm2, v15, v5  }
0xaf: {  	v8 =	vsel vm8, v6, v14;
	v6 =	vsel vm6, v6, v7;
	v11 =	vsel vm7, v20, v11  }
0xb0: {  	s18 =	sadd.s32 $0x70, s18;
	v7 =	vor.u32 s17, v0;
	s17 =	sadd.s32 $0x70, s17;
	v8 =	vsel vm7, v13, v8;
	v6 =	vsel vm8, v14, v6  }
0xb1: {  	vm4 =	vgt.f32 v10, v11  }
0xb2: {  	v10 =	vsel vm4, v10, v11;
	v13 =	vsel vm4, v7, v9  }
0xb3: {  	v14 =	vperm.xlane v10, v1;
	v15 =	vperm.xlane v13, v1;
	_ =	sdelay $0x1  }
0xb4: {  	vm5 =	veq.f32 v14, v10;
	vm6 =	vlt.s32 v15, v13  }
0xb5: {  	vm9 =	vgt.f32 v14, v10;
	vm5 =	vmand vm5, vm6  }
0xb6: {  	vm5 =	vmor vm9, vm5  }
0xb7: {  	v14 =	vsel vm5, v14, v10;
	v15 =	vsel vm5, v15, v13  }
0xb8: {  	v16 =	vperm.xlane v14, v2;
	v17 =	vperm.xlane v15, v2;
	_ =	sdelay $0x1  }
0xb9: {  	vm10 =	veq.f32 v16, v14;
	vm11 =	vlt.s32 v17, v15  }
0xba: {  	vm12 =	vgt.f32 v16, v14;
	vm5 =	vmand vm10, vm11  }
0xbb: {  	vm5 =	vmor vm12, vm5  }
0xbc: {  	v14 =	vsel vm5, v16, v14;
	v15 =	vsel vm5, v17, v15  }
0xbd: {  	v16 =	vperm.xlane v14, v3;
	v17 =	vperm.xlane v15, v3;
	_ =	sdelay $0x1  }
0xbe: {  	vm13 =	veq.f32 v16, v14;
	vm14 =	vlt.s32 v17, v15  }
0xbf: {  	vm15 =	vgt.f32 v16, v14;
	vm5 =	vmand vm13, vm14  }
0xc0: {  	vm5 =	vmor vm15, vm5  }
0xc1: {  	v14 =	vsel vm5, v16, v14;
	v15 =	vsel vm5, v17, v15  }
0xc2: {  	v16 =	vperm.xlane v14, v4;
	v17 =	vperm.xlane v15, v4;
	_ =	sdelay $0x1  }
0xc3: {  	vm9 =	veq.f32 v16, v14;
	vm10 =	vlt.s32 v17, v15  }
0xc4: {  	vm11 =	vgt.f32 v16, v14;
	vm5 =	vmand vm9, vm10  }
0xc5: {  	vm5 =	vmor vm11, vm5  }
0xc6: {  	v14 =	vsel vm5, v16, v14;
	v15 =	vsel vm5, v17, v15  }
0xc7: {  	v51 =	vsel vm2, v7, v8;
	vm12 =	veq.f32 v10, v14;
	vm13 =	veq.s32 v13, v15  }
0xc8: {  	v52 =	vsel vm4, v11, v12;
	v53 =	vsel vm4, v9, v51;
	vm4 =	vmand vm12, vm13  }
0xc9: {  	v10 =	vsel vm4, v52, v10;
	v54 =	vsel vm4, v53, v13  }
0xca: {  	v55 =	vperm.xlane v10, v1;
	v56 =	vperm.xlane v54, v1;
	_ =	sdelay $0x1  }
0xcb: {  	vm14 =	veq.f32 v55, v10;
	vm15 =	vlt.s32 v56, v54  }
0xcc: {  	vm9 =	vgt.f32 v55, v10;
	vm5 =	vmand vm14, vm15  }
0xcd: {  	vm5 =	vmor vm9, vm5  }
0xce: {  	v13 =	vsel vm5, v55, v10;
	v16 =	vsel vm5, v56, v54  }
0xcf: {  	v57 =	vperm.xlane v13, v2;
	v18 =	vperm.xlane v16, v2;
	_ =	sdelay $0x1  }
0xd0: {  	vm10 =	veq.f32 v57, v13;
	vm11 =	vlt.s32 v18, v16  }
0xd1: {  	vm12 =	vgt.f32 v57, v13;
	vm5 =	vmand vm10, vm11  }
0xd2: {  	vm5 =	vmor vm12, vm5  }
0xd3: {  	v13 =	vsel vm5, v57, v13;
	v16 =	vsel vm5, v18, v16  }
0xd4: {  	v17 =	vperm.xlane v13, v3;
	v18 =	vperm.xlane v16, v3;
	_ =	sdelay $0x1  }
0xd5: {  	vm13 =	veq.f32 v17, v13;
	vm14 =	vlt.s32 v18, v16  }
0xd6: {  	vm15 =	vgt.f32 v17, v13;
	vm5 =	vmand vm13, vm14  }
0xd7: {  	vm5 =	vmor vm15, vm5  }
0xd8: {  	v13 =	vsel vm5, v17, v13;
	v16 =	vsel vm5, v18, v16  }
0xd9: {  	v17 =	vperm.xlane v13, v4;
	v18 =	vperm.xlane v16, v4;
	_ =	sdelay $0x1  }
0xda: {  	vm9 =	veq.f32 v17, v13;
	vm10 =	vlt.s32 v18, v16  }
0xdb: {  	vm11 =	vgt.f32 v17, v13;
	vm5 =	vmand vm9, vm10  }
0xdc: {  	vm5 =	vmor vm11, vm5  }
0xdd: {  	v6 =	vsel vm3, v7, v6;
	v7 =	vsel vm5, v17, v13;
	v58 =	vsel vm5, v18, v16  }
0xde: {  	v6 =	vsel vm2, v8, v6;
	vm2 =	veq.f32 v10, v7;
	vm3 =	veq.s32 v54, v58  }
0xdf: {  	v5 =	vsel vm4, v5, v52;
	v6 =	vsel vm4, v6, v53;
	vm2 =	vmand vm2, vm3  }
0xe0: {  	v5 =	vsel vm2, v5, v10;
	v6 =	vsel vm2, v6, v54  }
0xe1: {  	v59 =	vperm.xlane v5, v1;
	v60 =	vperm.xlane v6, v1;
	_ =	sdelay $0x1  }
0xe2: {  	vm2 =	veq.f32 v59, v5;
	vm3 =	vlt.s32 v60, v6  }
0xe3: {  	vm12 =	vgt.f32 v59, v5;
	vm2 =	vmand vm2, vm3  }
0xe4: {  	vm2 =	vmor vm12, vm2  }
0xe5: {  	v5 =	vsel vm2, v59, v5;
	v6 =	vsel vm2, v60, v6  }
0xe6: {  	v8 =	vperm.xlane v5, v2;
	v9 =	vperm.xlane v6, v2;
	_ =	sdelay $0x1  }
0xe7: {  	vm2 =	veq.f32 v8, v5;
	vm3 =	vlt.s32 v9, v6  }
0xe8: {  	vm13 =	vgt.f32 v8, v5;
	vm2 =	vmand vm2, vm3  }
0xe9: {  	vm2 =	vmor vm13, vm2  }
0xea: {  	v5 =	vsel vm2, v8, v5;
	v6 =	vsel vm2, v9, v6  }
0xeb: {  	v8 =	vperm.xlane v5, v3;
	v9 =	vperm.xlane v6, v3;
	_ =	sdelay $0x1  }
0xec: {  	vm2 =	veq.f32 v8, v5;
	vm3 =	vlt.s32 v9, v6  }
0xed: {  	vm14 =	vgt.f32 v8, v5;
	vm2 =	vmand vm2, vm3  }
0xee: {  	vm2 =	vmor vm14, vm2  }
0xef: {  	v5 =	vsel vm2, v8, v5;
	v6 =	vsel vm2, v9, v6  }
0xf0: {  	v8 =	vperm.xlane v5, v4;
	v9 =	vperm.xlane v6, v4;
	_ =	sdelay $0x1  }
0xf1: {  	vm2 =	veq.f32 v8, v5;
	vm3 =	vlt.s32 v9, v6  }
0xf2: {  	vm15 =	vmmov $0x1;
	vm2 =	vmand vm2, vm3;
	vm3 =	vgt.f32 v8, v5  }
0xf3: {  	v61 =	vnsel vm15, $0xFF800000, v14;
	vm2 =	vmor vm3, vm2  }
0xf4: {  	v62 =	vnsel vm15, $0x7FFFFFFF, v15;
	v7 =	vsel vm0, v61, v7;
	v5 =	vsel vm2, v8, v5  }
0xf5: {  	v63 =	vsel vm0, v62, v58;
	v6 =	vsel vm2, v9, v6;
	v5 =	vsel vm1, v7, v5  }
0xf6: {  	v6 =	vsel vm1, v63, v6;
	[tilespmem:$0xC80] =	vst v5  }
0xf7: {  	[tilespmem:$0xD00] =	vst v6  }
0xf8: {  	[hbm4b:s6+s2] =	stream.linear.scatter [tilespmem:s12], [sflag:$0x1], $0x80, $0x38;
	[tilespmem:$0xD80] =	vst v63  }
0xf9: {  	s15 =	sadd.s32 $0x1, s15  }
0xfa: {  	[hbm4b:s7+s2] =	stream.linear.scatter [tilespmem:s13], [sflag:$0x2], $0x80, $0x38;
	[tilespmem:$0xD80] =	vst v63  }
0xfb: {  	p1 =	sne.s32 s15, s8;
	_ =	swait.ge [sflag:s11], $0x80  }
.Ltmp2:
0xfc: {  	[sflag:s11] =	ssyncset.done $0x0;
	(pc) =	sbr.rel @p1 .LBB2_1-.Ltmp2, $4  }
0xfd: {  	[sflag:s11] =	ssyncadd.s32 $0xFFFFFF80  }
0xfe: {  	_ =	swait.ge [sflag:s14], $0x80  }
0xff: {  	[sflag:s14] =	ssyncset.done $0x0  }
0x100: {  	[sflag:s14] =	ssyncadd.s32 $0xFFFFFF80  }
0x101: {  	_ =	sfence.sel $0x180000  }
0x102: {  	[bflag:$0x0] =	sbarrier.arrive $0xFFFF  }
0x103: {  	p0 =	sne.s32 s0, $0x0;
	_ =	strace $0x90000047  }
0x104: {  	s0 =	sadd.s32 @!p0 $0x100000, s1;
	[bflag:$0x2] =	sbarrier.arrive $0xFFFF  }
0x105: {  	[sflag:s0] =	ssyncadd.tile.s32 @!p0 $0x1;
	_ =	shalt  }
.Lfunc_end2:
_tile_overlayer_lowered:
.L_overlay_start_2:
0x106: {  	(tag) =	ssettag $0x2  }
0x107: {  	s0 =	rddreg [dreg:$0x0];
	s2 =	stileid.u32  }
0x108: {  	s1 =	rddreg [dreg:$0x1];
	p0 =	sne.s32 s2, $0x0  }
0x109: {  	s3 =	rddreg [dreg:$0x2];
	[bflag:$0x3] =	sbarrier.arrive $0xFFFF;
	s2 =	simm.s32 @!p0 $0x1C03  }
0x10a: {  	[timem:s3], [sflag:s2] =	dma.local @!p0 [hbm:s0], s1  }
0x10b: {  	s0 =	simm.s32 @!p0 $0x3  }
0x10c: {  	_ =	swait.ge @!p0 [sflag:s0], s1  }
0x10d: {  	s1 =	ssub.s32 @!p0 $0x0, s1;
	[sflag:s0] =	ssyncset.done @!p0 $0x0  }
0x10e: {  	[sflag:s0] =	ssyncadd.s32 @!p0 s1  }
0x10f: {  	[bflag:$0x3] =	sbarrier.arrive $0xFFFF  }
0x110: {  	_ =	shalt  }

</sc_bundles>
